<compile_context>
chip_gen: v7x
topology: tpu7x:2x2x1
jax: 0.10.2.dev20260603
libtpu: 0.0.44.dev20260713+nightly
codegen_flags: <defaults>
</compile_context>

<pallas_src>
import functools

import jax
import jax.numpy as jnp
from jax import lax
from jax.experimental import pallas as pl
from jax.experimental.pallas import tpu as pltpu
from jax.experimental.pallas import tpu_sc as plsc

N = 10000
E = 320000
ENC = 128
EDGE = 16
LAT = 128

NUM_TILES = 16
EPT = E // NUM_TILES
C = 40
NCHUNK = EPT // C
N_PAD = 10240
TROWS = N_PAD // NUM_TILES
WB = 80


def _table_body(z_ref, w_ref, out_ref):
    out_ref[0] = jnp.dot(z_ref[...], w_ref[0],
                         preferred_element_type=jnp.float32)


def _node_table(z, w_stack):
    return pl.pallas_call(
        _table_body,
        grid=(4,),
        in_specs=[
            pl.BlockSpec((N, ENC), lambda j: (0, 0)),
            pl.BlockSpec((1, ENC, LAT), lambda j: (j, 0, 0)),
        ],
        out_specs=pl.BlockSpec((1, N, LAT), lambda j: (j, 0, 0)),
        out_shape=jax.ShapeDtypeStruct((4, N, LAT), jnp.float32),
    )(z, w_stack)


_BE = 8000


def _eproj_body(e_ref, w_ref, b_ref, out_ref):
    out_ref[0] = jnp.dot(e_ref[...], w_ref[0],
                         preferred_element_type=jnp.float32) + b_ref[0]


def _edge_proj(e_feat, we_stack, bm_stack):
    return pl.pallas_call(
        _eproj_body,
        grid=(2, E // _BE),
        in_specs=[
            pl.BlockSpec((_BE, EDGE), lambda p, i: (i, 0)),
            pl.BlockSpec((1, EDGE, LAT), lambda p, i: (p, 0, 0)),
            pl.BlockSpec((1, 1, LAT), lambda p, i: (p, 0, 0)),
        ],
        out_specs=pl.BlockSpec((1, _BE, LAT), lambda p, i: (p, i, 0)),
        out_shape=jax.ShapeDtypeStruct((2, E, LAT), jnp.float32),
    )(e_feat, we_stack, bm_stack)


def _sc_edge_body(t_hbm, ep_hbm, src_hbm, dst_hbm, out_hbm,
                  src_v0, dst_v0, gs_v0, gd_v0,
                  src_v1, dst_v1, gs_v1, gd_v1, sdst_v0, sdst_v1,
                  s_rows0, d_rows0, e_rows0, s_rows1, d_rows1, e_rows1,
                  agg_sh, sem_i0, sem_i1, sem_g0, sem_g1, sem_s0, sem_s1):
    c = lax.axis_index("c")
    s = lax.axis_index("s")

    src_v = (src_v0, src_v1)
    dst_v = (dst_v0, dst_v1)
    gs_v = (gs_v0, gs_v1)
    gd_v = (gd_v0, gd_v1)
    s_rows = (s_rows0, s_rows1)
    d_rows = (d_rows0, d_rows1)
    e_rows = (e_rows0, e_rows1)
    sdst_v = (sdst_v0, sdst_v1)
    sem_i = (sem_i0, sem_i1)
    sem_g = (sem_g0, sem_g1)
    sem_s = (sem_s0, sem_s1)

    def _wait_scatter(b):
        pltpu.make_async_copy(s_rows[b], agg_sh.at[sdst_v[b]],
                              sem_s[b]).wait()

    base0 = s * EPT
    soff = c * N
    doff = (2 + c) * N

    def _start_idx(i, b):
        pltpu.async_copy(src_hbm.at[pl.ds(base0 + i * C, C)], src_v[b],
                         sem_i[b])
        pltpu.async_copy(dst_hbm.at[pl.ds(base0 + i * C, C)], dst_v[b],
                         sem_i[b])

    def _wait_idx(b):
        pltpu.make_async_copy(src_hbm.at[pl.ds(0, C)], src_v[b],
                              sem_i[b]).wait()
        pltpu.make_async_copy(dst_hbm.at[pl.ds(0, C)], dst_v[b],
                              sem_i[b]).wait()

    def _mkidx(b):
        for off in (0, 16, C - 16):
            sl = pl.ds(off, 16)
            gs_v[b][sl] = src_v[b][sl] + soff
            gd_v[b][sl] = dst_v[b][sl] + doff
            sdst_v[b][sl] = dst_v[b][sl]

    def _start_gathers(i, b):
        pltpu.async_copy(t_hbm.at[gs_v[b]], s_rows[b], sem_g[b])
        pltpu.async_copy(t_hbm.at[gd_v[b]], d_rows[b], sem_g[b])
        pltpu.async_copy(ep_hbm.at[pl.ds(c * E + base0 + i * C, C)],
                         e_rows[b], sem_g[b])

    def _wait_gathers(b):
        pltpu.make_async_copy(t_hbm.at[gs_v[b]], s_rows[b], sem_g[b]).wait()
        pltpu.make_async_copy(t_hbm.at[gd_v[b]], d_rows[b], sem_g[b]).wait()
        pltpu.make_async_copy(ep_hbm.at[pl.ds(0, C)], e_rows[b],
                              sem_g[b]).wait()

    _start_idx(0, 0)
    _start_idx(1, 1)

    def _zb(k, carry):
        s_rows0[k // 8, pl.ds((k % 8) * 16, 16)] = jnp.zeros((16,),
                                                             jnp.float32)
        return carry

    lax.fori_loop(0, C * 8, _zb, None)

    def _zcp(k, carry):
        pltpu.sync_copy(s_rows0, agg_sh.at[pl.ds(s * TROWS + k * C, C)])
        return carry

    lax.fori_loop(0, TROWS // C, _zcp, None)

    _wait_idx(0)
    _mkidx(0)
    _start_gathers(0, 0)
    plsc.subcore_barrier()

    def _chunk(i, carry):
        b = lax.rem(i, 2)

        def _iter(b_, nb_):
            @pl.when(i + 1 < NCHUNK)
            def _next():
                _wait_idx(nb_)

                @pl.when(i > 0)
                def _ws():
                    _wait_scatter(nb_)

                _mkidx(nb_)
                _start_gathers(i + 1, nb_)

            _wait_gathers(b_)

            def _relu(r, carry2):
                for j in range(8):
                    sl = pl.ds(j * 16, 16)
                    m = (s_rows[b_][r, sl] + d_rows[b_][r, sl]
                         + e_rows[b_][r, sl])
                    s_rows[b_][r, sl] = jnp.maximum(m, 0.0)
                return carry2

            lax.fori_loop(0, C, _relu, None)
            pltpu.async_copy(s_rows[b_], agg_sh.at[sdst_v[b_]], sem_s[b_],
                             add=True)

            @pl.when(i + 2 < NCHUNK)
            def _pf():
                _start_idx(i + 2, b_)

        @pl.when(b == 0)
        def _p0():
            _iter(0, 1)

        @pl.when(b == 1)
        def _p1():
            _iter(1, 0)

        return carry

    lax.fori_loop(0, NCHUNK, _chunk, None)
    _wait_scatter(0)
    _wait_scatter(1)
    plsc.subcore_barrier()

    r0 = s * TROWS
    ncp = jnp.minimum(TROWS // WB, (N - r0) // WB)

    def _ocp(k, carry):
        @pl.when(k < ncp)
        def _do():
            pltpu.sync_copy(agg_sh.at[pl.ds(r0 + k * WB, WB)],
                            out_hbm.at[pl.ds(c * N + r0 + k * WB, WB)])
        return carry

    lax.fori_loop(0, TROWS // WB, _ocp, None)


def _sc_edge(t_table, ep, src, dst):
    mesh = plsc.VectorSubcoreMesh(core_axis_name="c", subcore_axis_name="s")
    f = pl.kernel(
        _sc_edge_body,
        out_type=jax.ShapeDtypeStruct((2 * N, LAT), jnp.float32),
        mesh=mesh,
        scratch_types=(
            [pltpu.VMEM((C,), jnp.int32)] * 10
            + [pltpu.VMEM((C, LAT), jnp.float32)] * 6
            + [pltpu.VMEM_SHARED((N_PAD, LAT), jnp.float32)]
            + [pltpu.SemaphoreType.DMA] * 6
        ),
    )
    return f(t_table, ep, src, dst)


_BN = 2000


def _final_body(z_ref, a_ref, wu0_ref, bu0_ref, wu1_ref, bu1_ref, c_ref,
                out_ref):
    z = z_ref[...]
    o0 = (jnp.dot(z, wu0_ref[:ENC], preferred_element_type=jnp.float32)
          + jnp.dot(a_ref[0], wu0_ref[ENC:], preferred_element_type=jnp.float32)
          + bu0_ref[0])
    o1 = (jnp.dot(z, wu1_ref[:ENC], preferred_element_type=jnp.float32)
          + jnp.dot(a_ref[1], wu1_ref[ENC:], preferred_element_type=jnp.float32)
          + bu1_ref[0])
    out_ref[...] = c_ref[0, 0] * o0 + c_ref[0, 1] * o1


def _final(z, agg, Wu0, bu0, Wu1, bu1, coefs):
    return pl.pallas_call(
        _final_body,
        grid=(N // _BN,),
        in_specs=[
            pl.BlockSpec((_BN, ENC), lambda i: (i, 0)),
            pl.BlockSpec((2, _BN, LAT), lambda i: (0, i, 0)),
            pl.BlockSpec((ENC + LAT, ENC), lambda i: (0, 0)),
            pl.BlockSpec((1, ENC), lambda i: (0, 0)),
            pl.BlockSpec((ENC + LAT, ENC), lambda i: (0, 0)),
            pl.BlockSpec((1, ENC), lambda i: (0, 0)),
            pl.BlockSpec((1, 2), lambda i: (0, 0)),
        ],
        out_specs=pl.BlockSpec((_BN, ENC), lambda i: (i, 0)),
        out_shape=jax.ShapeDtypeStruct((N, ENC), jnp.float32),
    )(z, agg, Wu0, bu0, Wu1, bu1, coefs)


def kernel(z, e_feat, adj, Wm0, bm0, Wu0, bu0, coef0, Wm1, bm1, Wu1, bu1,
           coef1):
    src = adj[0].astype(jnp.int32)
    dst = adj[1].astype(jnp.int32)

    w_stack = jnp.stack([Wm0[:ENC], Wm1[:ENC],
                         Wm0[ENC:2 * ENC], Wm1[ENC:2 * ENC]])
    we_stack = jnp.stack([Wm0[2 * ENC:], Wm1[2 * ENC:]])
    bm_stack = jnp.stack([bm0, bm1]).reshape(2, 1, LAT)
    coefs = jnp.concatenate([coef0, coef1]).reshape(1, 2)

    t_table = _node_table(z, w_stack).reshape(4 * N, LAT)
    ep = _edge_proj(e_feat, we_stack, bm_stack).reshape(2 * E, LAT)
    agg = _sc_edge(t_table, ep, src, dst)
    return _final(z, agg.reshape(2, N, LAT), Wu0, bu0.reshape(1, ENC),
                  Wu1, bu1.reshape(1, ENC), coefs)

# --- scband reference (transcript-rebuilt; emitter-appended) ---
"""Pipeline reference for scband-parallel-processors-17420387352969 (READ-ONLY COPY).

The authoritative reference and input builder live on the scoring server;
editing this copy changes nothing except your own understanding.
"""

import jax, jax.numpy as jnp
import numpy as np

N = 10000
E = 320000
ENC = 128
EDGE = 16
LAT = 128
N_PROCS = 2


def _glorot(key, shape):
    fan_in = shape[0]
    return jax.random.normal(key, shape, jnp.float32) * (1.0 / np.sqrt(fan_in))


def setup_inputs(seed: int = 0) -> dict:
    key = jax.random.key(seed)
    ks = jax.random.split(key, 16)
    z = jax.random.normal(ks[0], (N, ENC), jnp.float32)
    e_feat = jax.random.normal(ks[1], (E, EDGE), jnp.float32)
    adj = jax.random.randint(ks[2], (2, E), 0, N, dtype=jnp.int64)
    inp = {"z": z, "e_feat": e_feat, "adj": adj}
    # Parameters for each of the n_procs MPNN layers:
    #   message MLP: [z_src || z_dst || e_feat] -> latent_dim (ReLU)
    #   update linear: [z || agg] -> enc_dim
    #   per-processor scalar attention coefficient (init to 1.0)
    for p in range(N_PROCS):
        base = 3 + p * 5
        inp[f"Wm{p}"] = _glorot(ks[base + 0], (2 * ENC + EDGE, LAT))
        inp[f"bm{p}"] = jnp.zeros((LAT,), jnp.float32)
        inp[f"Wu{p}"] = _glorot(ks[base + 1], (ENC + LAT, ENC))
        inp[f"bu{p}"] = jnp.zeros((ENC,), jnp.float32)
        inp[f"coef{p}"] = jnp.ones((1,), jnp.float32)
    return inp


def _mpnn(z, e_feat, adj, Wm, bm, Wu, bu):
    src = adj[0]
    dst = adj[1]
    z_src = jnp.take(z, src, axis=0)
    z_dst = jnp.take(z, dst, axis=0)
    m_in = jnp.concatenate([z_src, z_dst, e_feat], axis=-1)
    m = jax.nn.relu(m_in @ Wm + bm)
    agg = jnp.zeros((z.shape[0], m.shape[1]), m.dtype).at[dst].add(m)
    u_in = jnp.concatenate([z, agg], axis=-1)
    return u_in @ Wu + bu


def reference(z, e_feat, adj, Wm0, bm0, Wu0, bu0, coef0, Wm1, bm1, Wu1, bu1, coef1):
    # ParallelProcessors.forward: out = sum_p coef_p * MPNN_p(z, e_feat, adj)
    out = coef0 * _mpnn(z, e_feat, adj, Wm0, bm0, Wu0, bu0)
    out = out + coef1 * _mpnn(z, e_feat, adj, Wm1, bm1, Wu1, bu1)
    return out

if __name__ == "__main__":
    import jax
    _d = setup_inputs()
    print(jax.jit(kernel)(*tuple(_d.values())))

</pallas_src>

<mosaic_0001>
#map = affine_map<(d0, d1) -> (0, 0)>
#map1 = affine_map<(d0, d1) -> (0)>
module attributes {stable_mosaic.version = 14 : i64} {
  func.func @_sc_edge_body(%arg0: i32, %arg1: i32, %arg2: memref<40000x128xf32, #tpu.memory_space<hbm>>, %arg3: memref<640000x128xf32, #tpu.memory_space<hbm>>, %arg4: memref<320000xi32, #tpu.memory_space<hbm>>, %arg5: memref<320000xi32, #tpu.memory_space<hbm>>, %arg6: memref<20000x128xf32, #tpu.memory_space<hbm>>, %arg7: memref<40xi32, #tpu.memory_space<vmem>>, %arg8: memref<40xi32, #tpu.memory_space<vmem>>, %arg9: memref<40xi32, #tpu.memory_space<vmem>>, %arg10: memref<40xi32, #tpu.memory_space<vmem>>, %arg11: memref<40xi32, #tpu.memory_space<vmem>>, %arg12: memref<40xi32, #tpu.memory_space<vmem>>, %arg13: memref<40xi32, #tpu.memory_space<vmem>>, %arg14: memref<40xi32, #tpu.memory_space<vmem>>, %arg15: memref<40xi32, #tpu.memory_space<vmem>>, %arg16: memref<40xi32, #tpu.memory_space<vmem>>, %arg17: memref<40x128xf32, #tpu.memory_space<vmem>>, %arg18: memref<40x128xf32, #tpu.memory_space<vmem>>, %arg19: memref<40x128xf32, #tpu.memory_space<vmem>>, %arg20: memref<40x128xf32, #tpu.memory_space<vmem>>, %arg21: memref<40x128xf32, #tpu.memory_space<vmem>>, %arg22: memref<40x128xf32, #tpu.memory_space<vmem>>, %arg23: memref<10240x128xf32, #tpu.memory_space<vmem_shared>>, %arg24: memref<!tpu.dma_semaphore, #tpu.memory_space<semaphore_mem>>, %arg25: memref<!tpu.dma_semaphore, #tpu.memory_space<semaphore_mem>>, %arg26: memref<!tpu.dma_semaphore, #tpu.memory_space<semaphore_mem>>, %arg27: memref<!tpu.dma_semaphore, #tpu.memory_space<semaphore_mem>>, %arg28: memref<!tpu.dma_semaphore, #tpu.memory_space<semaphore_mem>>, %arg29: memref<!tpu.dma_semaphore, #tpu.memory_space<semaphore_mem>>) attributes {dimension_semantics = [#tpu.dimension_semantics<core_parallel>, #tpu.dimension_semantics<subcore_parallel>], iteration_bounds = array<i64: 2, 16>, scalar_prefetch = 0 : i64, scratch_operands = 23 : i64, tpu.core_type = #tpu.core_type<sc_vector_subcore>, window_params = [{transform_indices = #map}, {transform_indices = #map}, {transform_indices = #map1}, {transform_indices = #map1}, {transform_indices = #map}]} {
    %mul3A = arith.constant 20000 : i32
    %mul3A_0 = arith.muli %arg1, %mul3A : i32
    %mul3A_1 = arith.constant 10000 : i32
    %mul3A_2 = arith.muli %arg0, %mul3A_1 : i32
    %add3A = arith.constant 2 : i32
    %add3A_3 = arith.addi %add3A, %arg0 : i32
    %mul3A_4 = arith.constant 10000 : i32
    %mul3A_5 = arith.muli %add3A_3, %mul3A_4 : i32
    %add3A_6 = arith.constant 0 : i32
    %add3A_7 = arith.addi %mul3A_0, %add3A_6 : i32
    %dma_start3A = tpu.memref_slice %arg4[%add3A_7] : memref<320000xi32, #tpu.memory_space<hbm>> -> memref<40xi32, #tpu.memory_space<hbm>>
    %dma_start3A_8 = tpu.memref_slice %arg4[%add3A_7] : memref<320000xi32, #tpu.memory_space<hbm>> -> memref<40xi32, #tpu.memory_space<hbm>>
    tpu.enqueue_dma source(%dma_start3A_8 : memref<40xi32, #tpu.memory_space<hbm>>) target(%arg7 : memref<40xi32, #tpu.memory_space<vmem>>) target_semaphore(%arg24 : memref<!tpu.dma_semaphore, #tpu.memory_space<semaphore_mem>>)
    %add3A_9 = arith.constant 0 : i32
    %add3A_10 = arith.addi %mul3A_0, %add3A_9 : i32
    %dma_start3A_11 = tpu.memref_slice %arg5[%add3A_10] : memref<320000xi32, #tpu.memory_space<hbm>> -> memref<40xi32, #tpu.memory_space<hbm>>
    %dma_start3A_12 = tpu.memref_slice %arg5[%add3A_10] : memref<320000xi32, #tpu.memory_space<hbm>> -> memref<40xi32, #tpu.memory_space<hbm>>
    tpu.enqueue_dma source(%dma_start3A_12 : memref<40xi32, #tpu.memory_space<hbm>>) target(%arg8 : memref<40xi32, #tpu.memory_space<vmem>>) target_semaphore(%arg24 : memref<!tpu.dma_semaphore, #tpu.memory_space<semaphore_mem>>)
    %add3A_13 = arith.constant 40 : i32
    %add3A_14 = arith.addi %mul3A_0, %add3A_13 : i32
    %dma_start3A_15 = tpu.memref_slice %arg4[%add3A_14] : memref<320000xi32, #tpu.memory_space<hbm>> -> memref<40xi32, #tpu.memory_space<hbm>>
    %dma_start3A_16 = tpu.memref_slice %arg4[%add3A_14] : memref<320000xi32, #tpu.memory_space<hbm>> -> memref<40xi32, #tpu.memory_space<hbm>>
    tpu.enqueue_dma source(%dma_start3A_16 : memref<40xi32, #tpu.memory_space<hbm>>) target(%arg11 : memref<40xi32, #tpu.memory_space<vmem>>) target_semaphore(%arg25 : memref<!tpu.dma_semaphore, #tpu.memory_space<semaphore_mem>>)
    %add3A_17 = arith.constant 40 : i32
    %add3A_18 = arith.addi %mul3A_0, %add3A_17 : i32
    %dma_start3A_19 = tpu.memref_slice %arg5[%add3A_18] : memref<320000xi32, #tpu.memory_space<hbm>> -> memref<40xi32, #tpu.memory_space<hbm>>
    %dma_start3A_20 = tpu.memref_slice %arg5[%add3A_18] : memref<320000xi32, #tpu.memory_space<hbm>> -> memref<40xi32, #tpu.memory_space<hbm>>
    tpu.enqueue_dma source(%dma_start3A_20 : memref<40xi32, #tpu.memory_space<hbm>>) target(%arg12 : memref<40xi32, #tpu.memory_space<vmem>>) target_semaphore(%arg25 : memref<!tpu.dma_semaphore, #tpu.memory_space<semaphore_mem>>)
    %scan3A = arith.constant 0 : i32
    %scan3A_21 = arith.constant 320 : i32
    %scan3A_22 = arith.addi %scan3A, %scan3A_21 : i32
    %scan3A_23 = arith.constant 1 : i32
    scf.for %scan3A_163 = %scan3A to %scan3A_22 step %scan3A_23  : i32 {
      %broadcast_in_dim3A = arith.constant 0.000000e+00 : f32
      %broadcast_in_dim3A_164 = vector.broadcast %broadcast_in_dim3A : f32 to vector<16xf32>
      %jit3A_165 = arith.constant 8 : i32
      %div3A_166 = arith.divsi %scan3A_163, %jit3A_165 : i32
      %sign3A_167 = arith.constant 0 : i32
      %sign3A_168 = arith.cmpi sgt, %scan3A_163, %sign3A_167 : i32
      %sign3A_169 = arith.extui %sign3A_168 : i1 to i32
      %sign3A_170 = arith.constant 0 : i32
      %sign3A_171 = arith.cmpi slt, %scan3A_163, %sign3A_170 : i32
      %sign3A_172 = arith.extui %sign3A_171 : i1 to i32
      %sign3A_173 = arith.subi %sign3A_169, %sign3A_172 : i32
      %sign3A_174 = arith.constant 0 : i32
      %sign3A_175 = arith.cmpi sgt, %jit3A_165, %sign3A_174 : i32
      %sign3A_176 = arith.extui %sign3A_175 : i1 to i32
      %sign3A_177 = arith.constant 0 : i32
      %sign3A_178 = arith.cmpi slt, %jit3A_165, %sign3A_177 : i32
      %sign3A_179 = arith.extui %sign3A_178 : i1 to i32
      %sign3A_180 = arith.subi %sign3A_176, %sign3A_179 : i32
      %ne3A_181 = arith.cmpi ne, %sign3A_173, %sign3A_180 : i32
      %rem3A_182 = arith.remsi %scan3A_163, %jit3A_165 : i32
      %ne3A_183 = arith.constant 0 : i32
      %ne3A_184 = arith.cmpi ne, %rem3A_182, %ne3A_183 : i32
      %and3A_185 = arith.andi %ne3A_181, %ne3A_184 : i1
      %sub3A_186 = arith.constant 1 : i32
      %sub3A_187 = arith.subi %div3A_166, %sub3A_186 : i32
      %select_n3A_188 = arith.select %and3A_185, %sub3A_187, %div3A_166 : i32
      %jit3A_189 = arith.constant 8 : i32
      %eq3A = arith.constant 0 : i32
      %eq3A_190 = arith.cmpi eq, %jit3A_189, %eq3A : i32
      %jit3A_191 = arith.constant 1 : i32
      %select_n3A_192 = arith.select %eq3A_190, %jit3A_191, %jit3A_189 : i32
      %rem3A_193 = arith.remsi %scan3A_163, %select_n3A_192 : i32
      %ne3A_194 = arith.constant 0 : i32
      %ne3A_195 = arith.cmpi ne, %rem3A_193, %ne3A_194 : i32
      %lt3A = arith.constant 0 : i32
      %lt3A_196 = arith.cmpi slt, %rem3A_193, %lt3A : i32
      %lt3A_197 = arith.constant 0 : i32
      %lt3A_198 = arith.cmpi slt, %select_n3A_192, %lt3A_197 : i32
      %ne3A_199 = arith.xori %lt3A_196, %lt3A_198 : i1
      %and3A_200 = arith.andi %ne3A_199, %ne3A_195 : i1
      %add3A_201 = arith.addi %rem3A_193, %select_n3A_192 : i32
      %select_n3A_202 = arith.select %and3A_200, %add3A_201, %rem3A_193 : i32
      %mul3A_203 = arith.constant 16 : i32
      %mul3A_204 = arith.muli %select_n3A_202, %mul3A_203 : i32
      %swap3A_205 = arith.index_cast %select_n3A_188 : i32 to index
      %swap3A_206 = arith.index_cast %mul3A_204 : i32 to index
      %swap3A_207 = tpu.vector_load %arg17[%swap3A_205, %swap3A_206] {strides = array<i32>} : memref<40x128xf32, #tpu.memory_space<vmem>>, vector<1x16xf32>,
      %swap3A_208 = vector.shape_cast %swap3A_207 : vector<1x16xf32> to vector<16xf32>
      %swap3A_209 = vector.shape_cast %broadcast_in_dim3A_164 : vector<16xf32> to vector<1x16xf32>
      tpu.vector_store %arg17[%swap3A_205, %swap3A_206], %swap3A_209 {strides = array<i32>} : memref<40x128xf32, #tpu.memory_space<vmem>>, vector<1x16xf32>,
    }
    %scan3A_24 = arith.constant 320 : i32
    %scan3A_25 = arith.constant 0 : i32
    %scan3A_26 = arith.constant 16 : i32
    %scan3A_27 = arith.addi %scan3A_25, %scan3A_26 : i32
    %scan3A_28 = arith.constant 1 : i32
    scf.for %scan3A_163 = %scan3A_25 to %scan3A_27 step %scan3A_28  : i32 {
      %mul3A_164 = arith.constant 640 : i32
      %mul3A_165 = arith.muli %arg1, %mul3A_164 : i32
      %mul3A_166 = arith.constant 40 : i32
      %mul3A_167 = arith.muli %scan3A_163, %mul3A_166 : i32
      %add3A_168 = arith.addi %mul3A_165, %mul3A_167 : i32
      "tpu.region"() ({
        %run_scoped3A = tpu.sem_alloc : memref<!tpu.dma_semaphore, #tpu.memory_space<semaphore_mem>>
        %dma_start3A_169 = arith.constant 0 : i32
        %dma_start3A_170 = tpu.memref_slice %arg23[%add3A_168, %dma_start3A_169] : memref<10240x128xf32, #tpu.memory_space<vmem_shared>> -> memref<40x128xf32, #tpu.memory_space<vmem_shared>>
        %dma_start3A_171 = arith.constant 0 : i32
        %dma_start3A_172 = tpu.memref_slice %arg23[%add3A_168, %dma_start3A_171] : memref<10240x128xf32, #tpu.memory_space<vmem_shared>> -> memref<40x128xf32, #tpu.memory_space<vmem_shared>>
        tpu.enqueue_dma source(%arg17 : memref<40x128xf32, #tpu.memory_space<vmem>>) target(%dma_start3A_172 : memref<40x128xf32, #tpu.memory_space<vmem_shared>>) target_semaphore(%run_scoped3A : memref<!tpu.dma_semaphore, #tpu.memory_space<semaphore_mem>>)
        %dma_wait3A_173 = arith.constant 0 : i32
        %dma_wait3A_174 = tpu.memref_slice %arg23[%add3A_168, %dma_wait3A_173] : memref<10240x128xf32, #tpu.memory_space<vmem_shared>> -> memref<40x128xf32, #tpu.memory_space<vmem_shared>>
        %dma_wait3A_175 = arith.constant 0 : i32
        %dma_wait3A_176 = tpu.memref_slice %arg23[%add3A_168, %dma_wait3A_175] : memref<10240x128xf32, #tpu.memory_space<vmem_shared>> -> memref<40x128xf32, #tpu.memory_space<vmem_shared>>
        tpu.wait_dma2 semaphore(%run_scoped3A : memref<!tpu.dma_semaphore, #tpu.memory_space<semaphore_mem>>) src(%arg17 : memref<40x128xf32, #tpu.memory_space<vmem>>) dst(%dma_wait3A_176 : memref<40x128xf32, #tpu.memory_space<vmem_shared>>)
        tpu.yield
      }) : () -> ()
    }
    %scan3A_29 = arith.constant 16 : i32
    %dma_wait3A = arith.constant 0 : i32
    %dma_wait3A_30 = tpu.memref_slice %arg4[%dma_wait3A] : memref<320000xi32, #tpu.memory_space<hbm>> -> memref<40xi32, #tpu.memory_space<hbm>>
    %dma_wait3A_31 = arith.constant 0 : i32
    %dma_wait3A_32 = tpu.memref_slice %arg4[%dma_wait3A_31] : memref<320000xi32, #tpu.memory_space<hbm>> -> memref<40xi32, #tpu.memory_space<hbm>>
    tpu.wait_dma2 semaphore(%arg24 : memref<!tpu.dma_semaphore, #tpu.memory_space<semaphore_mem>>) src(%dma_wait3A_32 : memref<40xi32, #tpu.memory_space<hbm>>) dst(%arg7 : memref<40xi32, #tpu.memory_space<vmem>>)
    %dma_wait3A_33 = arith.constant 0 : i32
    %dma_wait3A_34 = tpu.memref_slice %arg5[%dma_wait3A_33] : memref<320000xi32, #tpu.memory_space<hbm>> -> memref<40xi32, #tpu.memory_space<hbm>>
    %dma_wait3A_35 = arith.constant 0 : i32
    %dma_wait3A_36 = tpu.memref_slice %arg5[%dma_wait3A_35] : memref<320000xi32, #tpu.memory_space<hbm>> -> memref<40xi32, #tpu.memory_space<hbm>>
    tpu.wait_dma2 semaphore(%arg24 : memref<!tpu.dma_semaphore, #tpu.memory_space<semaphore_mem>>) src(%dma_wait3A_36 : memref<40xi32, #tpu.memory_space<hbm>>) dst(%arg8 : memref<40xi32, #tpu.memory_space<vmem>>)
    %get3A = arith.constant 0 : index
    %get3A_37 = tpu.vector_load %arg7[%get3A] {strides = array<i32>} : memref<40xi32, #tpu.memory_space<vmem>>, vector<16xi32>,
    %get3A_38 = vector.shape_cast %get3A_37 : vector<16xi32> to vector<16xi32>
    %add3A_39 = vector.broadcast %mul3A_2 : i32 to vector<16xi32>
    %add3A_40 = arith.addi %get3A_38, %add3A_39 : vector<16xi32>
    %swap3A = arith.constant 0 : index
    %swap3A_41 = tpu.vector_load %arg9[%swap3A] {strides = array<i32>} : memref<40xi32, #tpu.memory_space<vmem>>, vector<16xi32>,
    %swap3A_42 = vector.shape_cast %swap3A_41 : vector<16xi32> to vector<16xi32>
    %swap3A_43 = vector.shape_cast %add3A_40 : vector<16xi32> to vector<16xi32>
    tpu.vector_store %arg9[%swap3A], %swap3A_43 {strides = array<i32>} : memref<40xi32, #tpu.memory_space<vmem>>, vector<16xi32>,
    %get3A_44 = arith.constant 0 : index
    %get3A_45 = tpu.vector_load %arg8[%get3A_44] {strides = array<i32>} : memref<40xi32, #tpu.memory_space<vmem>>, vector<16xi32>,
    %get3A_46 = vector.shape_cast %get3A_45 : vector<16xi32> to vector<16xi32>
    %add3A_47 = vector.broadcast %mul3A_5 : i32 to vector<16xi32>
    %add3A_48 = arith.addi %get3A_46, %add3A_47 : vector<16xi32>
    %swap3A_49 = arith.constant 0 : index
    %swap3A_50 = tpu.vector_load %arg10[%swap3A_49] {strides = array<i32>} : memref<40xi32, #tpu.memory_space<vmem>>, vector<16xi32>,
    %swap3A_51 = vector.shape_cast %swap3A_50 : vector<16xi32> to vector<16xi32>
    %swap3A_52 = vector.shape_cast %add3A_48 : vector<16xi32> to vector<16xi32>
    tpu.vector_store %arg10[%swap3A_49], %swap3A_52 {strides = array<i32>} : memref<40xi32, #tpu.memory_space<vmem>>, vector<16xi32>,
    %get3A_53 = arith.constant 0 : index
    %get3A_54 = tpu.vector_load %arg8[%get3A_53] {strides = array<i32>} : memref<40xi32, #tpu.memory_space<vmem>>, vector<16xi32>,
    %get3A_55 = vector.shape_cast %get3A_54 : vector<16xi32> to vector<16xi32>
    %swap3A_56 = arith.constant 0 : index
    %swap3A_57 = tpu.vector_load %arg15[%swap3A_56] {strides = array<i32>} : memref<40xi32, #tpu.memory_space<vmem>>, vector<16xi32>,
    %swap3A_58 = vector.shape_cast %swap3A_57 : vector<16xi32> to vector<16xi32>
    %swap3A_59 = vector.shape_cast %get3A_55 : vector<16xi32> to vector<16xi32>
    tpu.vector_store %arg15[%swap3A_56], %swap3A_59 {strides = array<i32>} : memref<40xi32, #tpu.memory_space<vmem>>, vector<16xi32>,
    %get3A_60 = arith.constant 16 : index
    %get3A_61 = tpu.vector_load %arg7[%get3A_60] {strides = array<i32>} : memref<40xi32, #tpu.memory_space<vmem>>, vector<16xi32>,
    %get3A_62 = vector.shape_cast %get3A_61 : vector<16xi32> to vector<16xi32>
    %add3A_63 = vector.broadcast %mul3A_2 : i32 to vector<16xi32>
    %add3A_64 = arith.addi %get3A_62, %add3A_63 : vector<16xi32>
    %swap3A_65 = arith.constant 16 : index
    %swap3A_66 = tpu.vector_load %arg9[%swap3A_65] {strides = array<i32>} : memref<40xi32, #tpu.memory_space<vmem>>, vector<16xi32>,
    %swap3A_67 = vector.shape_cast %swap3A_66 : vector<16xi32> to vector<16xi32>
    %swap3A_68 = vector.shape_cast %add3A_64 : vector<16xi32> to vector<16xi32>
    tpu.vector_store %arg9[%swap3A_65], %swap3A_68 {strides = array<i32>} : memref<40xi32, #tpu.memory_space<vmem>>, vector<16xi32>,
    %get3A_69 = arith.constant 16 : index
    %get3A_70 = tpu.vector_load %arg8[%get3A_69] {strides = array<i32>} : memref<40xi32, #tpu.memory_space<vmem>>, vector<16xi32>,
    %get3A_71 = vector.shape_cast %get3A_70 : vector<16xi32> to vector<16xi32>
    %add3A_72 = vector.broadcast %mul3A_5 : i32 to vector<16xi32>
    %add3A_73 = arith.addi %get3A_71, %add3A_72 : vector<16xi32>
    %swap3A_74 = arith.constant 16 : index
    %swap3A_75 = tpu.vector_load %arg10[%swap3A_74] {strides = array<i32>} : memref<40xi32, #tpu.memory_space<vmem>>, vector<16xi32>,
    %swap3A_76 = vector.shape_cast %swap3A_75 : vector<16xi32> to vector<16xi32>
    %swap3A_77 = vector.shape_cast %add3A_73 : vector<16xi32> to vector<16xi32>
    tpu.vector_store %arg10[%swap3A_74], %swap3A_77 {strides = array<i32>} : memref<40xi32, #tpu.memory_space<vmem>>, vector<16xi32>,
    %get3A_78 = arith.constant 16 : index
    %get3A_79 = tpu.vector_load %arg8[%get3A_78] {strides = array<i32>} : memref<40xi32, #tpu.memory_space<vmem>>, vector<16xi32>,
    %get3A_80 = vector.shape_cast %get3A_79 : vector<16xi32> to vector<16xi32>
    %swap3A_81 = arith.constant 16 : index
    %swap3A_82 = tpu.vector_load %arg15[%swap3A_81] {strides = array<i32>} : memref<40xi32, #tpu.memory_space<vmem>>, vector<16xi32>,
    %swap3A_83 = vector.shape_cast %swap3A_82 : vector<16xi32> to vector<16xi32>
    %swap3A_84 = vector.shape_cast %get3A_80 : vector<16xi32> to vector<16xi32>
    tpu.vector_store %arg15[%swap3A_81], %swap3A_84 {strides = array<i32>} : memref<40xi32, #tpu.memory_space<vmem>>, vector<16xi32>,
    %get3A_85 = arith.constant 24 : index
    %get3A_86 = tpu.vector_load %arg7[%get3A_85] {strides = array<i32>} : memref<40xi32, #tpu.memory_space<vmem>>, vector<16xi32>,
    %get3A_87 = vector.shape_cast %get3A_86 : vector<16xi32> to vector<16xi32>
    %add3A_88 = vector.broadcast %mul3A_2 : i32 to vector<16xi32>
    %add3A_89 = arith.addi %get3A_87, %add3A_88 : vector<16xi32>
    %swap3A_90 = arith.constant 24 : index
    %swap3A_91 = tpu.vector_load %arg9[%swap3A_90] {strides = array<i32>} : memref<40xi32, #tpu.memory_space<vmem>>, vector<16xi32>,
    %swap3A_92 = vector.shape_cast %swap3A_91 : vector<16xi32> to vector<16xi32>
    %swap3A_93 = vector.shape_cast %add3A_89 : vector<16xi32> to vector<16xi32>
    tpu.vector_store %arg9[%swap3A_90], %swap3A_93 {strides = array<i32>} : memref<40xi32, #tpu.memory_space<vmem>>, vector<16xi32>,
    %get3A_94 = arith.constant 24 : index
    %get3A_95 = tpu.vector_load %arg8[%get3A_94] {strides = array<i32>} : memref<40xi32, #tpu.memory_space<vmem>>, vector<16xi32>,
    %get3A_96 = vector.shape_cast %get3A_95 : vector<16xi32> to vector<16xi32>
    %add3A_97 = vector.broadcast %mul3A_5 : i32 to vector<16xi32>
    %add3A_98 = arith.addi %get3A_96, %add3A_97 : vector<16xi32>
    %swap3A_99 = arith.constant 24 : index
    %swap3A_100 = tpu.vector_load %arg10[%swap3A_99] {strides = array<i32>} : memref<40xi32, #tpu.memory_space<vmem>>, vector<16xi32>,
    %swap3A_101 = vector.shape_cast %swap3A_100 : vector<16xi32> to vector<16xi32>
    %swap3A_102 = vector.shape_cast %add3A_98 : vector<16xi32> to vector<16xi32>
    tpu.vector_store %arg10[%swap3A_99], %swap3A_102 {strides = array<i32>} : memref<40xi32, #tpu.memory_space<vmem>>, vector<16xi32>,
    %get3A_103 = arith.constant 24 : index
    %get3A_104 = tpu.vector_load %arg8[%get3A_103] {strides = array<i32>} : memref<40xi32, #tpu.memory_space<vmem>>, vector<16xi32>,
    %get3A_105 = vector.shape_cast %get3A_104 : vector<16xi32> to vector<16xi32>
    %swap3A_106 = arith.constant 24 : index
    %swap3A_107 = tpu.vector_load %arg15[%swap3A_106] {strides = array<i32>} : memref<40xi32, #tpu.memory_space<vmem>>, vector<16xi32>,
    %swap3A_108 = vector.shape_cast %swap3A_107 : vector<16xi32> to vector<16xi32>
    %swap3A_109 = vector.shape_cast %get3A_105 : vector<16xi32> to vector<16xi32>
    tpu.vector_store %arg15[%swap3A_106], %swap3A_109 {strides = array<i32>} : memref<40xi32, #tpu.memory_space<vmem>>, vector<16xi32>,
    %dma_start3A_110 = arith.constant 0 : i32
    %dma_start3A_111 = arith.constant 0 : i32
    %dma_start3A_112 = tpu.memref_slice %arg2[%dma_start3A_110, %dma_start3A_111] : memref<40000x128xf32, #tpu.memory_space<hbm>> -> memref<40000x128xf32, #tpu.memory_space<hbm>>
    tpu.enqueue_indirect_dma source(%dma_start3A_112 : memref<40000x128xf32, #tpu.memory_space<hbm>>) target(%arg17 : memref<40x128xf32, #tpu.memory_space<vmem>>) offsets(%arg9 : memref<40xi32, #tpu.memory_space<vmem>>) semaphore(%arg26 : memref<!tpu.dma_semaphore, #tpu.memory_space<semaphore_mem>>)
    %dma_start3A_113 = arith.constant 0 : i32
    %dma_start3A_114 = arith.constant 0 : i32
    %dma_start3A_115 = tpu.memref_slice %arg2[%dma_start3A_113, %dma_start3A_114] : memref<40000x128xf32, #tpu.memory_space<hbm>> -> memref<40000x128xf32, #tpu.memory_space<hbm>>
    tpu.enqueue_indirect_dma source(%dma_start3A_115 : memref<40000x128xf32, #tpu.memory_space<hbm>>) target(%arg18 : memref<40x128xf32, #tpu.memory_space<vmem>>) offsets(%arg10 : memref<40xi32, #tpu.memory_space<vmem>>) semaphore(%arg26 : memref<!tpu.dma_semaphore, #tpu.memory_space<semaphore_mem>>)
    %mul3A_116 = arith.constant 320000 : i32
    %mul3A_117 = arith.muli %arg0, %mul3A_116 : i32
    %add3A_118 = arith.addi %mul3A_117, %mul3A_0 : i32
    %add3A_119 = arith.constant 0 : i32
    %add3A_120 = arith.addi %add3A_118, %add3A_119 : i32
    %dma_start3A_121 = arith.constant 0 : i32
    %dma_start3A_122 = tpu.memref_slice %arg3[%add3A_120, %dma_start3A_121] : memref<640000x128xf32, #tpu.memory_space<hbm>> -> memref<40x128xf32, #tpu.memory_space<hbm>>
    %dma_start3A_123 = arith.constant 0 : i32
    %dma_start3A_124 = tpu.memref_slice %arg3[%add3A_120, %dma_start3A_123] : memref<640000x128xf32, #tpu.memory_space<hbm>> -> memref<40x128xf32, #tpu.memory_space<hbm>>
    tpu.enqueue_dma source(%dma_start3A_124 : memref<40x128xf32, #tpu.memory_space<hbm>>) target(%arg19 : memref<40x128xf32, #tpu.memory_space<vmem>>) target_semaphore(%arg26 : memref<!tpu.dma_semaphore, #tpu.memory_space<semaphore_mem>>)
    %barrier3A = arith.constant 0 : index
    tpu.barrier barrier_id(%barrier3A)
    %scan3A_125 = arith.constant 0 : i32
    %scan3A_126 = arith.constant 500 : i32
    %scan3A_127 = arith.addi %scan3A_125, %scan3A_126 : i32
    %scan3A_128 = arith.constant 1 : i32
    scf.for %scan3A_163 = %scan3A_125 to %scan3A_127 step %scan3A_128  : i32 {
      %rem3A_164 = arith.constant 2 : i32
      %rem3A_165 = arith.remsi %scan3A_163, %rem3A_164 : i32
      %eq3A = arith.constant 0 : i32
      %eq3A_166 = arith.cmpi eq, %rem3A_165, %eq3A : i32
      %convert_element_type3A = arith.extui %eq3A_166 : i1 to i32
      %cond3A = arith.constant 0 : i32
      %cond3A_167 = arith.cmpi ne, %convert_element_type3A, %cond3A : i32
      scf.if %cond3A_167 {
        %add3A_173 = arith.constant 1 : i32
        %add3A_174 = arith.addi %scan3A_163, %add3A_173 : i32
        %lt3A = arith.constant 500 : i32
        %lt3A_175 = arith.cmpi slt, %add3A_174, %lt3A : i32
        %convert_element_type3A_176 = arith.extui %lt3A_175 : i1 to i32
        %cond3A_177 = arith.constant 0 : i32
        %cond3A_178 = arith.cmpi ne, %convert_element_type3A_176, %cond3A_177 : i32
        scf.if %cond3A_178 {
          %dma_wait3A_206 = arith.constant 0 : i32
          %dma_wait3A_207 = tpu.memref_slice %arg4[%dma_wait3A_206] : memref<320000xi32, #tpu.memory_space<hbm>> -> memref<40xi32, #tpu.memory_space<hbm>>
          %dma_wait3A_208 = arith.constant 0 : i32
          %dma_wait3A_209 = tpu.memref_slice %arg4[%dma_wait3A_208] : memref<320000xi32, #tpu.memory_space<hbm>> -> memref<40xi32, #tpu.memory_space<hbm>>
          tpu.wait_dma2 semaphore(%arg25 : memref<!tpu.dma_semaphore, #tpu.memory_space<semaphore_mem>>) src(%dma_wait3A_209 : memref<40xi32, #tpu.memory_space<hbm>>) dst(%arg11 : memref<40xi32, #tpu.memory_space<vmem>>)
          %dma_wait3A_210 = arith.constant 0 : i32
          %dma_wait3A_211 = tpu.memref_slice %arg5[%dma_wait3A_210] : memref<320000xi32, #tpu.memory_space<hbm>> -> memref<40xi32, #tpu.memory_space<hbm>>
          %dma_wait3A_212 = arith.constant 0 : i32
          %dma_wait3A_213 = tpu.memref_slice %arg5[%dma_wait3A_212] : memref<320000xi32, #tpu.memory_space<hbm>> -> memref<40xi32, #tpu.memory_space<hbm>>
          tpu.wait_dma2 semaphore(%arg25 : memref<!tpu.dma_semaphore, #tpu.memory_space<semaphore_mem>>) src(%dma_wait3A_213 : memref<40xi32, #tpu.memory_space<hbm>>) dst(%arg12 : memref<40xi32, #tpu.memory_space<vmem>>)
          %gt3A = arith.constant 0 : i32
          %gt3A_214 = arith.cmpi sgt, %scan3A_163, %gt3A : i32
          %convert_element_type3A_215 = arith.extui %gt3A_214 : i1 to i32
          %cond3A_216 = arith.constant 0 : i32
          %cond3A_217 = arith.cmpi ne, %convert_element_type3A_215, %cond3A_216 : i32
          scf.if %cond3A_217 {
            %dma_wait3A_311 = arith.constant 0 : i32
            %dma_wait3A_312 = arith.constant 0 : i32
            %dma_wait3A_313 = tpu.memref_slice %arg23[%dma_wait3A_311, %dma_wait3A_312] : memref<10240x128xf32, #tpu.memory_space<vmem_shared>> -> memref<10240x128xf32, #tpu.memory_space<vmem_shared>>
            tpu.wait_indirect_dma semaphore(%arg29 : memref<!tpu.dma_semaphore, #tpu.memory_space<semaphore_mem>>) src(%arg20 : memref<40x128xf32, #tpu.memory_space<vmem>>) dst(%dma_wait3A_313 : memref<10240x128xf32, #tpu.memory_space<vmem_shared>>)
          } else {
          }
          %get3A_218 = arith.constant 0 : index
          %get3A_219 = tpu.vector_load %arg11[%get3A_218] {strides = array<i32>} : memref<40xi32, #tpu.memory_space<vmem>>, vector<16xi32>,
          %get3A_220 = vector.shape_cast %get3A_219 : vector<16xi32> to vector<16xi32>
          %add3A_221 = vector.broadcast %mul3A_2 : i32 to vector<16xi32>
          %add3A_222 = arith.addi %get3A_220, %add3A_221 : vector<16xi32>
          %swap3A_223 = arith.constant 0 : index
          %swap3A_224 = tpu.vector_load %arg13[%swap3A_223] {strides = array<i32>} : memref<40xi32, #tpu.memory_space<vmem>>, vector<16xi32>,
          %swap3A_225 = vector.shape_cast %swap3A_224 : vector<16xi32> to vector<16xi32>
          %swap3A_226 = vector.shape_cast %add3A_222 : vector<16xi32> to vector<16xi32>
          tpu.vector_store %arg13[%swap3A_223], %swap3A_226 {strides = array<i32>} : memref<40xi32, #tpu.memory_space<vmem>>, vector<16xi32>,
          %get3A_227 = arith.constant 0 : index
          %get3A_228 = tpu.vector_load %arg12[%get3A_227] {strides = array<i32>} : memref<40xi32, #tpu.memory_space<vmem>>, vector<16xi32>,
          %get3A_229 = vector.shape_cast %get3A_228 : vector<16xi32> to vector<16xi32>
          %add3A_230 = vector.broadcast %mul3A_5 : i32 to vector<16xi32>
          %add3A_231 = arith.addi %get3A_229, %add3A_230 : vector<16xi32>
          %swap3A_232 = arith.constant 0 : index
          %swap3A_233 = tpu.vector_load %arg14[%swap3A_232] {strides = array<i32>} : memref<40xi32, #tpu.memory_space<vmem>>, vector<16xi32>,
          %swap3A_234 = vector.shape_cast %swap3A_233 : vector<16xi32> to vector<16xi32>
          %swap3A_235 = vector.shape_cast %add3A_231 : vector<16xi32> to vector<16xi32>
          tpu.vector_store %arg14[%swap3A_232], %swap3A_235 {strides = array<i32>} : memref<40xi32, #tpu.memory_space<vmem>>, vector<16xi32>,
          %get3A_236 = arith.constant 0 : index
          %get3A_237 = tpu.vector_load %arg12[%get3A_236] {strides = array<i32>} : memref<40xi32, #tpu.memory_space<vmem>>, vector<16xi32>,
          %get3A_238 = vector.shape_cast %get3A_237 : vector<16xi32> to vector<16xi32>
          %swap3A_239 = arith.constant 0 : index
          %swap3A_240 = tpu.vector_load %arg16[%swap3A_239] {strides = array<i32>} : memref<40xi32, #tpu.memory_space<vmem>>, vector<16xi32>,
          %swap3A_241 = vector.shape_cast %swap3A_240 : vector<16xi32> to vector<16xi32>
          %swap3A_242 = vector.shape_cast %get3A_238 : vector<16xi32> to vector<16xi32>
          tpu.vector_store %arg16[%swap3A_239], %swap3A_242 {strides = array<i32>} : memref<40xi32, #tpu.memory_space<vmem>>, vector<16xi32>,
          %get3A_243 = arith.constant 16 : index
          %get3A_244 = tpu.vector_load %arg11[%get3A_243] {strides = array<i32>} : memref<40xi32, #tpu.memory_space<vmem>>, vector<16xi32>,
          %get3A_245 = vector.shape_cast %get3A_244 : vector<16xi32> to vector<16xi32>
          %add3A_246 = vector.broadcast %mul3A_2 : i32 to vector<16xi32>
          %add3A_247 = arith.addi %get3A_245, %add3A_246 : vector<16xi32>
          %swap3A_248 = arith.constant 16 : index
          %swap3A_249 = tpu.vector_load %arg13[%swap3A_248] {strides = array<i32>} : memref<40xi32, #tpu.memory_space<vmem>>, vector<16xi32>,
          %swap3A_250 = vector.shape_cast %swap3A_249 : vector<16xi32> to vector<16xi32>
          %swap3A_251 = vector.shape_cast %add3A_247 : vector<16xi32> to vector<16xi32>
          tpu.vector_store %arg13[%swap3A_248], %swap3A_251 {strides = array<i32>} : memref<40xi32, #tpu.memory_space<vmem>>, vector<16xi32>,
          %get3A_252 = arith.constant 16 : index
          %get3A_253 = tpu.vector_load %arg12[%get3A_252] {strides = array<i32>} : memref<40xi32, #tpu.memory_space<vmem>>, vector<16xi32>,
          %get3A_254 = vector.shape_cast %get3A_253 : vector<16xi32> to vector<16xi32>
          %add3A_255 = vector.broadcast %mul3A_5 : i32 to vector<16xi32>
          %add3A_256 = arith.addi %get3A_254, %add3A_255 : vector<16xi32>
          %swap3A_257 = arith.constant 16 : index
          %swap3A_258 = tpu.vector_load %arg14[%swap3A_257] {strides = array<i32>} : memref<40xi32, #tpu.memory_space<vmem>>, vector<16xi32>,
          %swap3A_259 = vector.shape_cast %swap3A_258 : vector<16xi32> to vector<16xi32>
          %swap3A_260 = vector.shape_cast %add3A_256 : vector<16xi32> to vector<16xi32>
          tpu.vector_store %arg14[%swap3A_257], %swap3A_260 {strides = array<i32>} : memref<40xi32, #tpu.memory_space<vmem>>, vector<16xi32>,
          %get3A_261 = arith.constant 16 : index
          %get3A_262 = tpu.vector_load %arg12[%get3A_261] {strides = array<i32>} : memref<40xi32, #tpu.memory_space<vmem>>, vector<16xi32>,
          %get3A_263 = vector.shape_cast %get3A_262 : vector<16xi32> to vector<16xi32>
          %swap3A_264 = arith.constant 16 : index
          %swap3A_265 = tpu.vector_load %arg16[%swap3A_264] {strides = array<i32>} : memref<40xi32, #tpu.memory_space<vmem>>, vector<16xi32>,
          %swap3A_266 = vector.shape_cast %swap3A_265 : vector<16xi32> to vector<16xi32>
          %swap3A_267 = vector.shape_cast %get3A_263 : vector<16xi32> to vector<16xi32>
          tpu.vector_store %arg16[%swap3A_264], %swap3A_267 {strides = array<i32>} : memref<40xi32, #tpu.memory_space<vmem>>, vector<16xi32>,
          %get3A_268 = arith.constant 24 : index
          %get3A_269 = tpu.vector_load %arg11[%get3A_268] {strides = array<i32>} : memref<40xi32, #tpu.memory_space<vmem>>, vector<16xi32>,
          %get3A_270 = vector.shape_cast %get3A_269 : vector<16xi32> to vector<16xi32>
          %add3A_271 = vector.broadcast %mul3A_2 : i32 to vector<16xi32>
          %add3A_272 = arith.addi %get3A_270, %add3A_271 : vector<16xi32>
          %swap3A_273 = arith.constant 24 : index
          %swap3A_274 = tpu.vector_load %arg13[%swap3A_273] {strides = array<i32>} : memref<40xi32, #tpu.memory_space<vmem>>, vector<16xi32>,
          %swap3A_275 = vector.shape_cast %swap3A_274 : vector<16xi32> to vector<16xi32>
          %swap3A_276 = vector.shape_cast %add3A_272 : vector<16xi32> to vector<16xi32>
          tpu.vector_store %arg13[%swap3A_273], %swap3A_276 {strides = array<i32>} : memref<40xi32, #tpu.memory_space<vmem>>, vector<16xi32>,
          %get3A_277 = arith.constant 24 : index
          %get3A_278 = tpu.vector_load %arg12[%get3A_277] {strides = array<i32>} : memref<40xi32, #tpu.memory_space<vmem>>, vector<16xi32>,
          %get3A_279 = vector.shape_cast %get3A_278 : vector<16xi32> to vector<16xi32>
          %add3A_280 = vector.broadcast %mul3A_5 : i32 to vector<16xi32>
          %add3A_281 = arith.addi %get3A_279, %add3A_280 : vector<16xi32>
          %swap3A_282 = arith.constant 24 : index
          %swap3A_283 = tpu.vector_load %arg14[%swap3A_282] {strides = array<i32>} : memref<40xi32, #tpu.memory_space<vmem>>, vector<16xi32>,
          %swap3A_284 = vector.shape_cast %swap3A_283 : vector<16xi32> to vector<16xi32>
          %swap3A_285 = vector.shape_cast %add3A_281 : vector<16xi32> to vector<16xi32>
          tpu.vector_store %arg14[%swap3A_282], %swap3A_285 {strides = array<i32>} : memref<40xi32, #tpu.memory_space<vmem>>, vector<16xi32>,
          %get3A_286 = arith.constant 24 : index
          %get3A_287 = tpu.vector_load %arg12[%get3A_286] {strides = array<i32>} : memref<40xi32, #tpu.memory_space<vmem>>, vector<16xi32>,
          %get3A_288 = vector.shape_cast %get3A_287 : vector<16xi32> to vector<16xi32>
          %swap3A_289 = arith.constant 24 : index
          %swap3A_290 = tpu.vector_load %arg16[%swap3A_289] {strides = array<i32>} : memref<40xi32, #tpu.memory_space<vmem>>, vector<16xi32>,
          %swap3A_291 = vector.shape_cast %swap3A_290 : vector<16xi32> to vector<16xi32>
          %swap3A_292 = vector.shape_cast %get3A_288 : vector<16xi32> to vector<16xi32>
          tpu.vector_store %arg16[%swap3A_289], %swap3A_292 {strides = array<i32>} : memref<40xi32, #tpu.memory_space<vmem>>, vector<16xi32>,
          %add3A_293 = arith.constant 1 : i32
          %add3A_294 = arith.addi %scan3A_163, %add3A_293 : i32
          %dma_start3A_295 = arith.constant 0 : i32
          %dma_start3A_296 = arith.constant 0 : i32
          %dma_start3A_297 = tpu.memref_slice %arg2[%dma_start3A_295, %dma_start3A_296] : memref<40000x128xf32, #tpu.memory_space<hbm>> -> memref<40000x128xf32, #tpu.memory_space<hbm>>
          tpu.enqueue_indirect_dma source(%dma_start3A_297 : memref<40000x128xf32, #tpu.memory_space<hbm>>) target(%arg20 : memref<40x128xf32, #tpu.memory_space<vmem>>) offsets(%arg13 : memref<40xi32, #tpu.memory_space<vmem>>) semaphore(%arg27 : memref<!tpu.dma_semaphore, #tpu.memory_space<semaphore_mem>>)
          %dma_start3A_298 = arith.constant 0 : i32
          %dma_start3A_299 = arith.constant 0 : i32
          %dma_start3A_300 = tpu.memref_slice %arg2[%dma_start3A_298, %dma_start3A_299] : memref<40000x128xf32, #tpu.memory_space<hbm>> -> memref<40000x128xf32, #tpu.memory_space<hbm>>
          tpu.enqueue_indirect_dma source(%dma_start3A_300 : memref<40000x128xf32, #tpu.memory_space<hbm>>) target(%arg21 : memref<40x128xf32, #tpu.memory_space<vmem>>) offsets(%arg14 : memref<40xi32, #tpu.memory_space<vmem>>) semaphore(%arg27 : memref<!tpu.dma_semaphore, #tpu.memory_space<semaphore_mem>>)
          %mul3A_301 = arith.constant 320000 : i32
          %mul3A_302 = arith.muli %arg0, %mul3A_301 : i32
          %add3A_303 = arith.addi %mul3A_302, %mul3A_0 : i32
          %mul3A_304 = arith.constant 40 : i32
          %mul3A_305 = arith.muli %add3A_294, %mul3A_304 : i32
          %add3A_306 = arith.addi %add3A_303, %mul3A_305 : i32
          %dma_start3A_307 = arith.constant 0 : i32
          %dma_start3A_308 = tpu.memref_slice %arg3[%add3A_306, %dma_start3A_307] : memref<640000x128xf32, #tpu.memory_space<hbm>> -> memref<40x128xf32, #tpu.memory_space<hbm>>
          %dma_start3A_309 = arith.constant 0 : i32
          %dma_start3A_310 = tpu.memref_slice %arg3[%add3A_306, %dma_start3A_309] : memref<640000x128xf32, #tpu.memory_space<hbm>> -> memref<40x128xf32, #tpu.memory_space<hbm>>
          tpu.enqueue_dma source(%dma_start3A_310 : memref<40x128xf32, #tpu.memory_space<hbm>>) target(%arg22 : memref<40x128xf32, #tpu.memory_space<vmem>>) target_semaphore(%arg27 : memref<!tpu.dma_semaphore, #tpu.memory_space<semaphore_mem>>)
        } else {
        }
        %dma_wait3A_179 = arith.constant 0 : i32
        %dma_wait3A_180 = arith.constant 0 : i32
        %dma_wait3A_181 = tpu.memref_slice %arg2[%dma_wait3A_179, %dma_wait3A_180] : memref<40000x128xf32, #tpu.memory_space<hbm>> -> memref<40000x128xf32, #tpu.memory_space<hbm>>
        tpu.wait_indirect_dma semaphore(%arg26 : memref<!tpu.dma_semaphore, #tpu.memory_space<semaphore_mem>>) src(%dma_wait3A_181 : memref<40000x128xf32, #tpu.memory_space<hbm>>) dst(%arg17 : memref<40x128xf32, #tpu.memory_space<vmem>>)
        %dma_wait3A_182 = arith.constant 0 : i32
        %dma_wait3A_183 = arith.constant 0 : i32
        %dma_wait3A_184 = tpu.memref_slice %arg2[%dma_wait3A_182, %dma_wait3A_183] : memref<40000x128xf32, #tpu.memory_space<hbm>> -> memref<40000x128xf32, #tpu.memory_space<hbm>>
        tpu.wait_indirect_dma semaphore(%arg26 : memref<!tpu.dma_semaphore, #tpu.memory_space<semaphore_mem>>) src(%dma_wait3A_184 : memref<40000x128xf32, #tpu.memory_space<hbm>>) dst(%arg18 : memref<40x128xf32, #tpu.memory_space<vmem>>)
        %dma_wait3A_185 = arith.constant 0 : i32
        %dma_wait3A_186 = arith.constant 0 : i32
        %dma_wait3A_187 = tpu.memref_slice %arg3[%dma_wait3A_185, %dma_wait3A_186] : memref<640000x128xf32, #tpu.memory_space<hbm>> -> memref<40x128xf32, #tpu.memory_space<hbm>>
        %dma_wait3A_188 = arith.constant 0 : i32
        %dma_wait3A_189 = arith.constant 0 : i32
        %dma_wait3A_190 = tpu.memref_slice %arg3[%dma_wait3A_188, %dma_wait3A_189] : memref<640000x128xf32, #tpu.memory_space<hbm>> -> memref<40x128xf32, #tpu.memory_space<hbm>>
        tpu.wait_dma2 semaphore(%arg26 : memref<!tpu.dma_semaphore, #tpu.memory_space<semaphore_mem>>) src(%dma_wait3A_190 : memref<40x128xf32, #tpu.memory_space<hbm>>) dst(%arg19 : memref<40x128xf32, #tpu.memory_space<vmem>>)
        %scan3A_191 = arith.constant 0 : i32
        %scan3A_192 = arith.constant 40 : i32
        %scan3A_193 = arith.addi %scan3A_191, %scan3A_192 : i32
        %scan3A_194 = arith.constant 1 : i32
        scf.for %scan3A_206 = %scan3A_191 to %scan3A_193 step %scan3A_194  : i32 {
          %get3A_207 = arith.index_cast %scan3A_206 : i32 to index
          %get3A_208 = arith.constant 0 : index
          %get3A_209 = tpu.vector_load %arg17[%get3A_207, %get3A_208] {strides = array<i32>} : memref<40x128xf32, #tpu.memory_space<vmem>>, vector<1x16xf32>,
          %get3A_210 = vector.shape_cast %get3A_209 : vector<1x16xf32> to vector<16xf32>
          %get3A_211 = arith.index_cast %scan3A_206 : i32 to index
          %get3A_212 = arith.constant 0 : index
          %get3A_213 = tpu.vector_load %arg18[%get3A_211, %get3A_212] {strides = array<i32>} : memref<40x128xf32, #tpu.memory_space<vmem>>, vector<1x16xf32>,
          %get3A_214 = vector.shape_cast %get3A_213 : vector<1x16xf32> to vector<16xf32>
          %add3A_215 = arith.addf %get3A_210, %get3A_214 : vector<16xf32>
          %get3A_216 = arith.index_cast %scan3A_206 : i32 to index
          %get3A_217 = arith.constant 0 : index
          %get3A_218 = tpu.vector_load %arg19[%get3A_216, %get3A_217] {strides = array<i32>} : memref<40x128xf32, #tpu.memory_space<vmem>>, vector<1x16xf32>,
          %get3A_219 = vector.shape_cast %get3A_218 : vector<1x16xf32> to vector<16xf32>
          %add3A_220 = arith.addf %add3A_215, %get3A_219 : vector<16xf32>
          %max3A = arith.constant 0.000000e+00 : f32
          %max3A_221 = vector.broadcast %max3A : f32 to vector<16xf32>
          %max3A_222 = arith.maximumf %add3A_220, %max3A_221 : vector<16xf32>
          %swap3A_223 = arith.index_cast %scan3A_206 : i32 to index
          %swap3A_224 = arith.constant 0 : index
          %swap3A_225 = tpu.vector_load %arg17[%swap3A_223, %swap3A_224] {strides = array<i32>} : memref<40x128xf32, #tpu.memory_space<vmem>>, vector<1x16xf32>,
          %swap3A_226 = vector.shape_cast %swap3A_225 : vector<1x16xf32> to vector<16xf32>
          %swap3A_227 = vector.shape_cast %max3A_222 : vector<16xf32> to vector<1x16xf32>
          tpu.vector_store %arg17[%swap3A_223, %swap3A_224], %swap3A_227 {strides = array<i32>} : memref<40x128xf32, #tpu.memory_space<vmem>>, vector<1x16xf32>,
          %get3A_228 = arith.index_cast %scan3A_206 : i32 to index
          %get3A_229 = arith.constant 16 : index
          %get3A_230 = tpu.vector_load %arg17[%get3A_228, %get3A_229] {strides = array<i32>} : memref<40x128xf32, #tpu.memory_space<vmem>>, vector<1x16xf32>,
          %get3A_231 = vector.shape_cast %get3A_230 : vector<1x16xf32> to vector<16xf32>
          %get3A_232 = arith.index_cast %scan3A_206 : i32 to index
          %get3A_233 = arith.constant 16 : index
          %get3A_234 = tpu.vector_load %arg18[%get3A_232, %get3A_233] {strides = array<i32>} : memref<40x128xf32, #tpu.memory_space<vmem>>, vector<1x16xf32>,
          %get3A_235 = vector.shape_cast %get3A_234 : vector<1x16xf32> to vector<16xf32>
          %add3A_236 = arith.addf %get3A_231, %get3A_235 : vector<16xf32>
          %get3A_237 = arith.index_cast %scan3A_206 : i32 to index
          %get3A_238 = arith.constant 16 : index
          %get3A_239 = tpu.vector_load %arg19[%get3A_237, %get3A_238] {strides = array<i32>} : memref<40x128xf32, #tpu.memory_space<vmem>>, vector<1x16xf32>,
          %get3A_240 = vector.shape_cast %get3A_239 : vector<1x16xf32> to vector<16xf32>
          %add3A_241 = arith.addf %add3A_236, %get3A_240 : vector<16xf32>
          %max3A_242 = arith.constant 0.000000e+00 : f32
          %max3A_243 = vector.broadcast %max3A_242 : f32 to vector<16xf32>
          %max3A_244 = arith.maximumf %add3A_241, %max3A_243 : vector<16xf32>
          %swap3A_245 = arith.index_cast %scan3A_206 : i32 to index
          %swap3A_246 = arith.constant 16 : index
          %swap3A_247 = tpu.vector_load %arg17[%swap3A_245, %swap3A_246] {strides = array<i32>} : memref<40x128xf32, #tpu.memory_space<vmem>>, vector<1x16xf32>,
          %swap3A_248 = vector.shape_cast %swap3A_247 : vector<1x16xf32> to vector<16xf32>
          %swap3A_249 = vector.shape_cast %max3A_244 : vector<16xf32> to vector<1x16xf32>
          tpu.vector_store %arg17[%swap3A_245, %swap3A_246], %swap3A_249 {strides = array<i32>} : memref<40x128xf32, #tpu.memory_space<vmem>>, vector<1x16xf32>,
          %get3A_250 = arith.index_cast %scan3A_206 : i32 to index
          %get3A_251 = arith.constant 32 : index
          %get3A_252 = tpu.vector_load %arg17[%get3A_250, %get3A_251] {strides = array<i32>} : memref<40x128xf32, #tpu.memory_space<vmem>>, vector<1x16xf32>,
          %get3A_253 = vector.shape_cast %get3A_252 : vector<1x16xf32> to vector<16xf32>
          %get3A_254 = arith.index_cast %scan3A_206 : i32 to index
          %get3A_255 = arith.constant 32 : index
          %get3A_256 = tpu.vector_load %arg18[%get3A_254, %get3A_255] {strides = array<i32>} : memref<40x128xf32, #tpu.memory_space<vmem>>, vector<1x16xf32>,
          %get3A_257 = vector.shape_cast %get3A_256 : vector<1x16xf32> to vector<16xf32>
          %add3A_258 = arith.addf %get3A_253, %get3A_257 : vector<16xf32>
          %get3A_259 = arith.index_cast %scan3A_206 : i32 to index
          %get3A_260 = arith.constant 32 : index
          %get3A_261 = tpu.vector_load %arg19[%get3A_259, %get3A_260] {strides = array<i32>} : memref<40x128xf32, #tpu.memory_space<vmem>>, vector<1x16xf32>,
          %get3A_262 = vector.shape_cast %get3A_261 : vector<1x16xf32> to vector<16xf32>
          %add3A_263 = arith.addf %add3A_258, %get3A_262 : vector<16xf32>
          %max3A_264 = arith.constant 0.000000e+00 : f32
          %max3A_265 = vector.broadcast %max3A_264 : f32 to vector<16xf32>
          %max3A_266 = arith.maximumf %add3A_263, %max3A_265 : vector<16xf32>
          %swap3A_267 = arith.index_cast %scan3A_206 : i32 to index
          %swap3A_268 = arith.constant 32 : index
          %swap3A_269 = tpu.vector_load %arg17[%swap3A_267, %swap3A_268] {strides = array<i32>} : memref<40x128xf32, #tpu.memory_space<vmem>>, vector<1x16xf32>,
          %swap3A_270 = vector.shape_cast %swap3A_269 : vector<1x16xf32> to vector<16xf32>
          %swap3A_271 = vector.shape_cast %max3A_266 : vector<16xf32> to vector<1x16xf32>
          tpu.vector_store %arg17[%swap3A_267, %swap3A_268], %swap3A_271 {strides = array<i32>} : memref<40x128xf32, #tpu.memory_space<vmem>>, vector<1x16xf32>,
          %get3A_272 = arith.index_cast %scan3A_206 : i32 to index
          %get3A_273 = arith.constant 48 : index
          %get3A_274 = tpu.vector_load %arg17[%get3A_272, %get3A_273] {strides = array<i32>} : memref<40x128xf32, #tpu.memory_space<vmem>>, vector<1x16xf32>,
          %get3A_275 = vector.shape_cast %get3A_274 : vector<1x16xf32> to vector<16xf32>
          %get3A_276 = arith.index_cast %scan3A_206 : i32 to index
          %get3A_277 = arith.constant 48 : index
          %get3A_278 = tpu.vector_load %arg18[%get3A_276, %get3A_277] {strides = array<i32>} : memref<40x128xf32, #tpu.memory_space<vmem>>, vector<1x16xf32>,
          %get3A_279 = vector.shape_cast %get3A_278 : vector<1x16xf32> to vector<16xf32>
          %add3A_280 = arith.addf %get3A_275, %get3A_279 : vector<16xf32>
          %get3A_281 = arith.index_cast %scan3A_206 : i32 to index
          %get3A_282 = arith.constant 48 : index
          %get3A_283 = tpu.vector_load %arg19[%get3A_281, %get3A_282] {strides = array<i32>} : memref<40x128xf32, #tpu.memory_space<vmem>>, vector<1x16xf32>,
          %get3A_284 = vector.shape_cast %get3A_283 : vector<1x16xf32> to vector<16xf32>
          %add3A_285 = arith.addf %add3A_280, %get3A_284 : vector<16xf32>
          %max3A_286 = arith.constant 0.000000e+00 : f32
          %max3A_287 = vector.broadcast %max3A_286 : f32 to vector<16xf32>
          %max3A_288 = arith.maximumf %add3A_285, %max3A_287 : vector<16xf32>
          %swap3A_289 = arith.index_cast %scan3A_206 : i32 to index
          %swap3A_290 = arith.constant 48 : index
          %swap3A_291 = tpu.vector_load %arg17[%swap3A_289, %swap3A_290] {strides = array<i32>} : memref<40x128xf32, #tpu.memory_space<vmem>>, vector<1x16xf32>,
          %swap3A_292 = vector.shape_cast %swap3A_291 : vector<1x16xf32> to vector<16xf32>
          %swap3A_293 = vector.shape_cast %max3A_288 : vector<16xf32> to vector<1x16xf32>
          tpu.vector_store %arg17[%swap3A_289, %swap3A_290], %swap3A_293 {strides = array<i32>} : memref<40x128xf32, #tpu.memory_space<vmem>>, vector<1x16xf32>,
          %get3A_294 = arith.index_cast %scan3A_206 : i32 to index
          %get3A_295 = arith.constant 64 : index
          %get3A_296 = tpu.vector_load %arg17[%get3A_294, %get3A_295] {strides = array<i32>} : memref<40x128xf32, #tpu.memory_space<vmem>>, vector<1x16xf32>,
          %get3A_297 = vector.shape_cast %get3A_296 : vector<1x16xf32> to vector<16xf32>
          %get3A_298 = arith.index_cast %scan3A_206 : i32 to index
          %get3A_299 = arith.constant 64 : index
          %get3A_300 = tpu.vector_load %arg18[%get3A_298, %get3A_299] {strides = array<i32>} : memref<40x128xf32, #tpu.memory_space<vmem>>, vector<1x16xf32>,
          %get3A_301 = vector.shape_cast %get3A_300 : vector<1x16xf32> to vector<16xf32>
          %add3A_302 = arith.addf %get3A_297, %get3A_301 : vector<16xf32>
          %get3A_303 = arith.index_cast %scan3A_206 : i32 to index
          %get3A_304 = arith.constant 64 : index
          %get3A_305 = tpu.vector_load %arg19[%get3A_303, %get3A_304] {strides = array<i32>} : memref<40x128xf32, #tpu.memory_space<vmem>>, vector<1x16xf32>,
          %get3A_306 = vector.shape_cast %get3A_305 : vector<1x16xf32> to vector<16xf32>
          %add3A_307 = arith.addf %add3A_302, %get3A_306 : vector<16xf32>
          %max3A_308 = arith.constant 0.000000e+00 : f32
          %max3A_309 = vector.broadcast %max3A_308 : f32 to vector<16xf32>
          %max3A_310 = arith.maximumf %add3A_307, %max3A_309 : vector<16xf32>
          %swap3A_311 = arith.index_cast %scan3A_206 : i32 to index
          %swap3A_312 = arith.constant 64 : index
          %swap3A_313 = tpu.vector_load %arg17[%swap3A_311, %swap3A_312] {strides = array<i32>} : memref<40x128xf32, #tpu.memory_space<vmem>>, vector<1x16xf32>,
          %swap3A_314 = vector.shape_cast %swap3A_313 : vector<1x16xf32> to vector<16xf32>
          %swap3A_315 = vector.shape_cast %max3A_310 : vector<16xf32> to vector<1x16xf32>
          tpu.vector_store %arg17[%swap3A_311, %swap3A_312], %swap3A_315 {strides = array<i32>} : memref<40x128xf32, #tpu.memory_space<vmem>>, vector<1x16xf32>,
          %get3A_316 = arith.index_cast %scan3A_206 : i32 to index
          %get3A_317 = arith.constant 80 : index
          %get3A_318 = tpu.vector_load %arg17[%get3A_316, %get3A_317] {strides = array<i32>} : memref<40x128xf32, #tpu.memory_space<vmem>>, vector<1x16xf32>,
          %get3A_319 = vector.shape_cast %get3A_318 : vector<1x16xf32> to vector<16xf32>
          %get3A_320 = arith.index_cast %scan3A_206 : i32 to index
          %get3A_321 = arith.constant 80 : index
          %get3A_322 = tpu.vector_load %arg18[%get3A_320, %get3A_321] {strides = array<i32>} : memref<40x128xf32, #tpu.memory_space<vmem>>, vector<1x16xf32>,
          %get3A_323 = vector.shape_cast %get3A_322 : vector<1x16xf32> to vector<16xf32>
          %add3A_324 = arith.addf %get3A_319, %get3A_323 : vector<16xf32>
          %get3A_325 = arith.index_cast %scan3A_206 : i32 to index
          %get3A_326 = arith.constant 80 : index
          %get3A_327 = tpu.vector_load %arg19[%get3A_325, %get3A_326] {strides = array<i32>} : memref<40x128xf32, #tpu.memory_space<vmem>>, vector<1x16xf32>,
          %get3A_328 = vector.shape_cast %get3A_327 : vector<1x16xf32> to vector<16xf32>
          %add3A_329 = arith.addf %add3A_324, %get3A_328 : vector<16xf32>
          %max3A_330 = arith.constant 0.000000e+00 : f32
          %max3A_331 = vector.broadcast %max3A_330 : f32 to vector<16xf32>
          %max3A_332 = arith.maximumf %add3A_329, %max3A_331 : vector<16xf32>
          %swap3A_333 = arith.index_cast %scan3A_206 : i32 to index
          %swap3A_334 = arith.constant 80 : index
          %swap3A_335 = tpu.vector_load %arg17[%swap3A_333, %swap3A_334] {strides = array<i32>} : memref<40x128xf32, #tpu.memory_space<vmem>>, vector<1x16xf32>,
          %swap3A_336 = vector.shape_cast %swap3A_335 : vector<1x16xf32> to vector<16xf32>
          %swap3A_337 = vector.shape_cast %max3A_332 : vector<16xf32> to vector<1x16xf32>
          tpu.vector_store %arg17[%swap3A_333, %swap3A_334], %swap3A_337 {strides = array<i32>} : memref<40x128xf32, #tpu.memory_space<vmem>>, vector<1x16xf32>,
          %get3A_338 = arith.index_cast %scan3A_206 : i32 to index
          %get3A_339 = arith.constant 96 : index
          %get3A_340 = tpu.vector_load %arg17[%get3A_338, %get3A_339] {strides = array<i32>} : memref<40x128xf32, #tpu.memory_space<vmem>>, vector<1x16xf32>,
          %get3A_341 = vector.shape_cast %get3A_340 : vector<1x16xf32> to vector<16xf32>
          %get3A_342 = arith.index_cast %scan3A_206 : i32 to index
          %get3A_343 = arith.constant 96 : index
          %get3A_344 = tpu.vector_load %arg18[%get3A_342, %get3A_343] {strides = array<i32>} : memref<40x128xf32, #tpu.memory_space<vmem>>, vector<1x16xf32>,
          %get3A_345 = vector.shape_cast %get3A_344 : vector<1x16xf32> to vector<16xf32>
          %add3A_346 = arith.addf %get3A_341, %get3A_345 : vector<16xf32>
          %get3A_347 = arith.index_cast %scan3A_206 : i32 to index
          %get3A_348 = arith.constant 96 : index
          %get3A_349 = tpu.vector_load %arg19[%get3A_347, %get3A_348] {strides = array<i32>} : memref<40x128xf32, #tpu.memory_space<vmem>>, vector<1x16xf32>,
          %get3A_350 = vector.shape_cast %get3A_349 : vector<1x16xf32> to vector<16xf32>
          %add3A_351 = arith.addf %add3A_346, %get3A_350 : vector<16xf32>
          %max3A_352 = arith.constant 0.000000e+00 : f32
          %max3A_353 = vector.broadcast %max3A_352 : f32 to vector<16xf32>
          %max3A_354 = arith.maximumf %add3A_351, %max3A_353 : vector<16xf32>
          %swap3A_355 = arith.index_cast %scan3A_206 : i32 to index
          %swap3A_356 = arith.constant 96 : index
          %swap3A_357 = tpu.vector_load %arg17[%swap3A_355, %swap3A_356] {strides = array<i32>} : memref<40x128xf32, #tpu.memory_space<vmem>>, vector<1x16xf32>,
          %swap3A_358 = vector.shape_cast %swap3A_357 : vector<1x16xf32> to vector<16xf32>
          %swap3A_359 = vector.shape_cast %max3A_354 : vector<16xf32> to vector<1x16xf32>
          tpu.vector_store %arg17[%swap3A_355, %swap3A_356], %swap3A_359 {strides = array<i32>} : memref<40x128xf32, #tpu.memory_space<vmem>>, vector<1x16xf32>,
          %get3A_360 = arith.index_cast %scan3A_206 : i32 to index
          %get3A_361 = arith.constant 112 : index
          %get3A_362 = tpu.vector_load %arg17[%get3A_360, %get3A_361] {strides = array<i32>} : memref<40x128xf32, #tpu.memory_space<vmem>>, vector<1x16xf32>,
          %get3A_363 = vector.shape_cast %get3A_362 : vector<1x16xf32> to vector<16xf32>
          %get3A_364 = arith.index_cast %scan3A_206 : i32 to index
          %get3A_365 = arith.constant 112 : index
          %get3A_366 = tpu.vector_load %arg18[%get3A_364, %get3A_365] {strides = array<i32>} : memref<40x128xf32, #tpu.memory_space<vmem>>, vector<1x16xf32>,
          %get3A_367 = vector.shape_cast %get3A_366 : vector<1x16xf32> to vector<16xf32>
          %add3A_368 = arith.addf %get3A_363, %get3A_367 : vector<16xf32>
          %get3A_369 = arith.index_cast %scan3A_206 : i32 to index
          %get3A_370 = arith.constant 112 : index
          %get3A_371 = tpu.vector_load %arg19[%get3A_369, %get3A_370] {strides = array<i32>} : memref<40x128xf32, #tpu.memory_space<vmem>>, vector<1x16xf32>,
          %get3A_372 = vector.shape_cast %get3A_371 : vector<1x16xf32> to vector<16xf32>
          %add3A_373 = arith.addf %add3A_368, %get3A_372 : vector<16xf32>
          %max3A_374 = arith.constant 0.000000e+00 : f32
          %max3A_375 = vector.broadcast %max3A_374 : f32 to vector<16xf32>
          %max3A_376 = arith.maximumf %add3A_373, %max3A_375 : vector<16xf32>
          %swap3A_377 = arith.index_cast %scan3A_206 : i32 to index
          %swap3A_378 = arith.constant 112 : index
          %swap3A_379 = tpu.vector_load %arg17[%swap3A_377, %swap3A_378] {strides = array<i32>} : memref<40x128xf32, #tpu.memory_space<vmem>>, vector<1x16xf32>,
          %swap3A_380 = vector.shape_cast %swap3A_379 : vector<1x16xf32> to vector<16xf32>
          %swap3A_381 = vector.shape_cast %max3A_376 : vector<16xf32> to vector<1x16xf32>
          tpu.vector_store %arg17[%swap3A_377, %swap3A_378], %swap3A_381 {strides = array<i32>} : memref<40x128xf32, #tpu.memory_space<vmem>>, vector<1x16xf32>,
        }
        %scan3A_195 = arith.constant 40 : i32
        %dma_start3A_196 = arith.constant 0 : i32
        %dma_start3A_197 = arith.constant 0 : i32
        %dma_start3A_198 = tpu.memref_slice %arg23[%dma_start3A_196, %dma_start3A_197] : memref<10240x128xf32, #tpu.memory_space<vmem_shared>> -> memref<10240x128xf32, #tpu.memory_space<vmem_shared>>
        tpu.enqueue_indirect_dma source(%arg17 : memref<40x128xf32, #tpu.memory_space<vmem>>) target(%dma_start3A_198 : memref<10240x128xf32, #tpu.memory_space<vmem_shared>>) offsets(%arg15 : memref<40xi32, #tpu.memory_space<vmem>>) semaphore(%arg28 : memref<!tpu.dma_semaphore, #tpu.memory_space<semaphore_mem>>) {add = true}
        %add3A_199 = arith.constant 2 : i32
        %add3A_200 = arith.addi %scan3A_163, %add3A_199 : i32
        %lt3A_201 = arith.constant 500 : i32
        %lt3A_202 = arith.cmpi slt, %add3A_200, %lt3A_201 : i32
        %convert_element_type3A_203 = arith.extui %lt3A_202 : i1 to i32
        %cond3A_204 = arith.constant 0 : i32
        %cond3A_205 = arith.cmpi ne, %convert_element_type3A_203, %cond3A_204 : i32
        scf.if %cond3A_205 {
          %add3A_206 = arith.constant 2 : i32
          %add3A_207 = arith.addi %scan3A_163, %add3A_206 : i32
          %mul3A_208 = arith.constant 40 : i32
          %mul3A_209 = arith.muli %add3A_207, %mul3A_208 : i32
          %add3A_210 = arith.addi %mul3A_0, %mul3A_209 : i32
          %dma_start3A_211 = tpu.memref_slice %arg4[%add3A_210] : memref<320000xi32, #tpu.memory_space<hbm>> -> memref<40xi32, #tpu.memory_space<hbm>>
          %dma_start3A_212 = tpu.memref_slice %arg4[%add3A_210] : memref<320000xi32, #tpu.memory_space<hbm>> -> memref<40xi32, #tpu.memory_space<hbm>>
          tpu.enqueue_dma source(%dma_start3A_212 : memref<40xi32, #tpu.memory_space<hbm>>) target(%arg7 : memref<40xi32, #tpu.memory_space<vmem>>) target_semaphore(%arg24 : memref<!tpu.dma_semaphore, #tpu.memory_space<semaphore_mem>>)
          %mul3A_213 = arith.constant 40 : i32
          %mul3A_214 = arith.muli %add3A_207, %mul3A_213 : i32
          %add3A_215 = arith.addi %mul3A_0, %mul3A_214 : i32
          %dma_start3A_216 = tpu.memref_slice %arg5[%add3A_215] : memref<320000xi32, #tpu.memory_space<hbm>> -> memref<40xi32, #tpu.memory_space<hbm>>
          %dma_start3A_217 = tpu.memref_slice %arg5[%add3A_215] : memref<320000xi32, #tpu.memory_space<hbm>> -> memref<40xi32, #tpu.memory_space<hbm>>
          tpu.enqueue_dma source(%dma_start3A_217 : memref<40xi32, #tpu.memory_space<hbm>>) target(%arg8 : memref<40xi32, #tpu.memory_space<vmem>>) target_semaphore(%arg24 : memref<!tpu.dma_semaphore, #tpu.memory_space<semaphore_mem>>)
        } else {
        }
      } else {
      }
      %eq3A_168 = arith.constant 1 : i32
      %eq3A_169 = arith.cmpi eq, %rem3A_165, %eq3A_168 : i32
      %convert_element_type3A_170 = arith.extui %eq3A_169 : i1 to i32
      %cond3A_171 = arith.constant 0 : i32
      %cond3A_172 = arith.cmpi ne, %convert_element_type3A_170, %cond3A_171 : i32
      scf.if %cond3A_172 {
        %add3A_173 = arith.constant 1 : i32
        %add3A_174 = arith.addi %scan3A_163, %add3A_173 : i32
        %lt3A = arith.constant 500 : i32
        %lt3A_175 = arith.cmpi slt, %add3A_174, %lt3A : i32
        %convert_element_type3A_176 = arith.extui %lt3A_175 : i1 to i32
        %cond3A_177 = arith.constant 0 : i32
        %cond3A_178 = arith.cmpi ne, %convert_element_type3A_176, %cond3A_177 : i32
        scf.if %cond3A_178 {
          %dma_wait3A_206 = arith.constant 0 : i32
          %dma_wait3A_207 = tpu.memref_slice %arg4[%dma_wait3A_206] : memref<320000xi32, #tpu.memory_space<hbm>> -> memref<40xi32, #tpu.memory_space<hbm>>
          %dma_wait3A_208 = arith.constant 0 : i32
          %dma_wait3A_209 = tpu.memref_slice %arg4[%dma_wait3A_208] : memref<320000xi32, #tpu.memory_space<hbm>> -> memref<40xi32, #tpu.memory_space<hbm>>
          tpu.wait_dma2 semaphore(%arg24 : memref<!tpu.dma_semaphore, #tpu.memory_space<semaphore_mem>>) src(%dma_wait3A_209 : memref<40xi32, #tpu.memory_space<hbm>>) dst(%arg7 : memref<40xi32, #tpu.memory_space<vmem>>)
          %dma_wait3A_210 = arith.constant 0 : i32
          %dma_wait3A_211 = tpu.memref_slice %arg5[%dma_wait3A_210] : memref<320000xi32, #tpu.memory_space<hbm>> -> memref<40xi32, #tpu.memory_space<hbm>>
          %dma_wait3A_212 = arith.constant 0 : i32
          %dma_wait3A_213 = tpu.memref_slice %arg5[%dma_wait3A_212] : memref<320000xi32, #tpu.memory_space<hbm>> -> memref<40xi32, #tpu.memory_space<hbm>>
          tpu.wait_dma2 semaphore(%arg24 : memref<!tpu.dma_semaphore, #tpu.memory_space<semaphore_mem>>) src(%dma_wait3A_213 : memref<40xi32, #tpu.memory_space<hbm>>) dst(%arg8 : memref<40xi32, #tpu.memory_space<vmem>>)
          %gt3A = arith.constant 0 : i32
          %gt3A_214 = arith.cmpi sgt, %scan3A_163, %gt3A : i32
          %convert_element_type3A_215 = arith.extui %gt3A_214 : i1 to i32
          %cond3A_216 = arith.constant 0 : i32
          %cond3A_217 = arith.cmpi ne, %convert_element_type3A_215, %cond3A_216 : i32
          scf.if %cond3A_217 {
            %dma_wait3A_311 = arith.constant 0 : i32
            %dma_wait3A_312 = arith.constant 0 : i32
            %dma_wait3A_313 = tpu.memref_slice %arg23[%dma_wait3A_311, %dma_wait3A_312] : memref<10240x128xf32, #tpu.memory_space<vmem_shared>> -> memref<10240x128xf32, #tpu.memory_space<vmem_shared>>
            tpu.wait_indirect_dma semaphore(%arg28 : memref<!tpu.dma_semaphore, #tpu.memory_space<semaphore_mem>>) src(%arg17 : memref<40x128xf32, #tpu.memory_space<vmem>>) dst(%dma_wait3A_313 : memref<10240x128xf32, #tpu.memory_space<vmem_shared>>)
          } else {
          }
          %get3A_218 = arith.constant 0 : index
          %get3A_219 = tpu.vector_load %arg7[%get3A_218] {strides = array<i32>} : memref<40xi32, #tpu.memory_space<vmem>>, vector<16xi32>,
          %get3A_220 = vector.shape_cast %get3A_219 : vector<16xi32> to vector<16xi32>
          %add3A_221 = vector.broadcast %mul3A_2 : i32 to vector<16xi32>
          %add3A_222 = arith.addi %get3A_220, %add3A_221 : vector<16xi32>
          %swap3A_223 = arith.constant 0 : index
          %swap3A_224 = tpu.vector_load %arg9[%swap3A_223] {strides = array<i32>} : memref<40xi32, #tpu.memory_space<vmem>>, vector<16xi32>,
          %swap3A_225 = vector.shape_cast %swap3A_224 : vector<16xi32> to vector<16xi32>
          %swap3A_226 = vector.shape_cast %add3A_222 : vector<16xi32> to vector<16xi32>
          tpu.vector_store %arg9[%swap3A_223], %swap3A_226 {strides = array<i32>} : memref<40xi32, #tpu.memory_space<vmem>>, vector<16xi32>,
          %get3A_227 = arith.constant 0 : index
          %get3A_228 = tpu.vector_load %arg8[%get3A_227] {strides = array<i32>} : memref<40xi32, #tpu.memory_space<vmem>>, vector<16xi32>,
          %get3A_229 = vector.shape_cast %get3A_228 : vector<16xi32> to vector<16xi32>
          %add3A_230 = vector.broadcast %mul3A_5 : i32 to vector<16xi32>
          %add3A_231 = arith.addi %get3A_229, %add3A_230 : vector<16xi32>
          %swap3A_232 = arith.constant 0 : index
          %swap3A_233 = tpu.vector_load %arg10[%swap3A_232] {strides = array<i32>} : memref<40xi32, #tpu.memory_space<vmem>>, vector<16xi32>,
          %swap3A_234 = vector.shape_cast %swap3A_233 : vector<16xi32> to vector<16xi32>
          %swap3A_235 = vector.shape_cast %add3A_231 : vector<16xi32> to vector<16xi32>
          tpu.vector_store %arg10[%swap3A_232], %swap3A_235 {strides = array<i32>} : memref<40xi32, #tpu.memory_space<vmem>>, vector<16xi32>,
          %get3A_236 = arith.constant 0 : index
          %get3A_237 = tpu.vector_load %arg8[%get3A_236] {strides = array<i32>} : memref<40xi32, #tpu.memory_space<vmem>>, vector<16xi32>,
          %get3A_238 = vector.shape_cast %get3A_237 : vector<16xi32> to vector<16xi32>
          %swap3A_239 = arith.constant 0 : index
          %swap3A_240 = tpu.vector_load %arg15[%swap3A_239] {strides = array<i32>} : memref<40xi32, #tpu.memory_space<vmem>>, vector<16xi32>,
          %swap3A_241 = vector.shape_cast %swap3A_240 : vector<16xi32> to vector<16xi32>
          %swap3A_242 = vector.shape_cast %get3A_238 : vector<16xi32> to vector<16xi32>
          tpu.vector_store %arg15[%swap3A_239], %swap3A_242 {strides = array<i32>} : memref<40xi32, #tpu.memory_space<vmem>>, vector<16xi32>,
          %get3A_243 = arith.constant 16 : index
          %get3A_244 = tpu.vector_load %arg7[%get3A_243] {strides = array<i32>} : memref<40xi32, #tpu.memory_space<vmem>>, vector<16xi32>,
          %get3A_245 = vector.shape_cast %get3A_244 : vector<16xi32> to vector<16xi32>
          %add3A_246 = vector.broadcast %mul3A_2 : i32 to vector<16xi32>
          %add3A_247 = arith.addi %get3A_245, %add3A_246 : vector<16xi32>
          %swap3A_248 = arith.constant 16 : index
          %swap3A_249 = tpu.vector_load %arg9[%swap3A_248] {strides = array<i32>} : memref<40xi32, #tpu.memory_space<vmem>>, vector<16xi32>,
          %swap3A_250 = vector.shape_cast %swap3A_249 : vector<16xi32> to vector<16xi32>
          %swap3A_251 = vector.shape_cast %add3A_247 : vector<16xi32> to vector<16xi32>
          tpu.vector_store %arg9[%swap3A_248], %swap3A_251 {strides = array<i32>} : memref<40xi32, #tpu.memory_space<vmem>>, vector<16xi32>,
          %get3A_252 = arith.constant 16 : index
          %get3A_253 = tpu.vector_load %arg8[%get3A_252] {strides = array<i32>} : memref<40xi32, #tpu.memory_space<vmem>>, vector<16xi32>,
          %get3A_254 = vector.shape_cast %get3A_253 : vector<16xi32> to vector<16xi32>
          %add3A_255 = vector.broadcast %mul3A_5 : i32 to vector<16xi32>
          %add3A_256 = arith.addi %get3A_254, %add3A_255 : vector<16xi32>
          %swap3A_257 = arith.constant 16 : index
          %swap3A_258 = tpu.vector_load %arg10[%swap3A_257] {strides = array<i32>} : memref<40xi32, #tpu.memory_space<vmem>>, vector<16xi32>,
          %swap3A_259 = vector.shape_cast %swap3A_258 : vector<16xi32> to vector<16xi32>
          %swap3A_260 = vector.shape_cast %add3A_256 : vector<16xi32> to vector<16xi32>
          tpu.vector_store %arg10[%swap3A_257], %swap3A_260 {strides = array<i32>} : memref<40xi32, #tpu.memory_space<vmem>>, vector<16xi32>,
          %get3A_261 = arith.constant 16 : index
          %get3A_262 = tpu.vector_load %arg8[%get3A_261] {strides = array<i32>} : memref<40xi32, #tpu.memory_space<vmem>>, vector<16xi32>,
          %get3A_263 = vector.shape_cast %get3A_262 : vector<16xi32> to vector<16xi32>
          %swap3A_264 = arith.constant 16 : index
          %swap3A_265 = tpu.vector_load %arg15[%swap3A_264] {strides = array<i32>} : memref<40xi32, #tpu.memory_space<vmem>>, vector<16xi32>,
          %swap3A_266 = vector.shape_cast %swap3A_265 : vector<16xi32> to vector<16xi32>
          %swap3A_267 = vector.shape_cast %get3A_263 : vector<16xi32> to vector<16xi32>
          tpu.vector_store %arg15[%swap3A_264], %swap3A_267 {strides = array<i32>} : memref<40xi32, #tpu.memory_space<vmem>>, vector<16xi32>,
          %get3A_268 = arith.constant 24 : index
          %get3A_269 = tpu.vector_load %arg7[%get3A_268] {strides = array<i32>} : memref<40xi32, #tpu.memory_space<vmem>>, vector<16xi32>,
          %get3A_270 = vector.shape_cast %get3A_269 : vector<16xi32> to vector<16xi32>
          %add3A_271 = vector.broadcast %mul3A_2 : i32 to vector<16xi32>
          %add3A_272 = arith.addi %get3A_270, %add3A_271 : vector<16xi32>
          %swap3A_273 = arith.constant 24 : index
          %swap3A_274 = tpu.vector_load %arg9[%swap3A_273] {strides = array<i32>} : memref<40xi32, #tpu.memory_space<vmem>>, vector<16xi32>,
          %swap3A_275 = vector.shape_cast %swap3A_274 : vector<16xi32> to vector<16xi32>
          %swap3A_276 = vector.shape_cast %add3A_272 : vector<16xi32> to vector<16xi32>
          tpu.vector_store %arg9[%swap3A_273], %swap3A_276 {strides = array<i32>} : memref<40xi32, #tpu.memory_space<vmem>>, vector<16xi32>,
          %get3A_277 = arith.constant 24 : index
          %get3A_278 = tpu.vector_load %arg8[%get3A_277] {strides = array<i32>} : memref<40xi32, #tpu.memory_space<vmem>>, vector<16xi32>,
          %get3A_279 = vector.shape_cast %get3A_278 : vector<16xi32> to vector<16xi32>
          %add3A_280 = vector.broadcast %mul3A_5 : i32 to vector<16xi32>
          %add3A_281 = arith.addi %get3A_279, %add3A_280 : vector<16xi32>
          %swap3A_282 = arith.constant 24 : index
          %swap3A_283 = tpu.vector_load %arg10[%swap3A_282] {strides = array<i32>} : memref<40xi32, #tpu.memory_space<vmem>>, vector<16xi32>,
          %swap3A_284 = vector.shape_cast %swap3A_283 : vector<16xi32> to vector<16xi32>
          %swap3A_285 = vector.shape_cast %add3A_281 : vector<16xi32> to vector<16xi32>
          tpu.vector_store %arg10[%swap3A_282], %swap3A_285 {strides = array<i32>} : memref<40xi32, #tpu.memory_space<vmem>>, vector<16xi32>,
          %get3A_286 = arith.constant 24 : index
          %get3A_287 = tpu.vector_load %arg8[%get3A_286] {strides = array<i32>} : memref<40xi32, #tpu.memory_space<vmem>>, vector<16xi32>,
          %get3A_288 = vector.shape_cast %get3A_287 : vector<16xi32> to vector<16xi32>
          %swap3A_289 = arith.constant 24 : index
          %swap3A_290 = tpu.vector_load %arg15[%swap3A_289] {strides = array<i32>} : memref<40xi32, #tpu.memory_space<vmem>>, vector<16xi32>,
          %swap3A_291 = vector.shape_cast %swap3A_290 : vector<16xi32> to vector<16xi32>
          %swap3A_292 = vector.shape_cast %get3A_288 : vector<16xi32> to vector<16xi32>
          tpu.vector_store %arg15[%swap3A_289], %swap3A_292 {strides = array<i32>} : memref<40xi32, #tpu.memory_space<vmem>>, vector<16xi32>,
          %add3A_293 = arith.constant 1 : i32
          %add3A_294 = arith.addi %scan3A_163, %add3A_293 : i32
          %dma_start3A_295 = arith.constant 0 : i32
          %dma_start3A_296 = arith.constant 0 : i32
          %dma_start3A_297 = tpu.memref_slice %arg2[%dma_start3A_295, %dma_start3A_296] : memref<40000x128xf32, #tpu.memory_space<hbm>> -> memref<40000x128xf32, #tpu.memory_space<hbm>>
          tpu.enqueue_indirect_dma source(%dma_start3A_297 : memref<40000x128xf32, #tpu.memory_space<hbm>>) target(%arg17 : memref<40x128xf32, #tpu.memory_space<vmem>>) offsets(%arg9 : memref<40xi32, #tpu.memory_space<vmem>>) semaphore(%arg26 : memref<!tpu.dma_semaphore, #tpu.memory_space<semaphore_mem>>)
          %dma_start3A_298 = arith.constant 0 : i32
          %dma_start3A_299 = arith.constant 0 : i32
          %dma_start3A_300 = tpu.memref_slice %arg2[%dma_start3A_298, %dma_start3A_299] : memref<40000x128xf32, #tpu.memory_space<hbm>> -> memref<40000x128xf32, #tpu.memory_space<hbm>>
          tpu.enqueue_indirect_dma source(%dma_start3A_300 : memref<40000x128xf32, #tpu.memory_space<hbm>>) target(%arg18 : memref<40x128xf32, #tpu.memory_space<vmem>>) offsets(%arg10 : memref<40xi32, #tpu.memory_space<vmem>>) semaphore(%arg26 : memref<!tpu.dma_semaphore, #tpu.memory_space<semaphore_mem>>)
          %mul3A_301 = arith.constant 320000 : i32
          %mul3A_302 = arith.muli %arg0, %mul3A_301 : i32
          %add3A_303 = arith.addi %mul3A_302, %mul3A_0 : i32
          %mul3A_304 = arith.constant 40 : i32
          %mul3A_305 = arith.muli %add3A_294, %mul3A_304 : i32
          %add3A_306 = arith.addi %add3A_303, %mul3A_305 : i32
          %dma_start3A_307 = arith.constant 0 : i32
          %dma_start3A_308 = tpu.memref_slice %arg3[%add3A_306, %dma_start3A_307] : memref<640000x128xf32, #tpu.memory_space<hbm>> -> memref<40x128xf32, #tpu.memory_space<hbm>>
          %dma_start3A_309 = arith.constant 0 : i32
          %dma_start3A_310 = tpu.memref_slice %arg3[%add3A_306, %dma_start3A_309] : memref<640000x128xf32, #tpu.memory_space<hbm>> -> memref<40x128xf32, #tpu.memory_space<hbm>>
          tpu.enqueue_dma source(%dma_start3A_310 : memref<40x128xf32, #tpu.memory_space<hbm>>) target(%arg19 : memref<40x128xf32, #tpu.memory_space<vmem>>) target_semaphore(%arg26 : memref<!tpu.dma_semaphore, #tpu.memory_space<semaphore_mem>>)
        } else {
        }
        %dma_wait3A_179 = arith.constant 0 : i32
        %dma_wait3A_180 = arith.constant 0 : i32
        %dma_wait3A_181 = tpu.memref_slice %arg2[%dma_wait3A_179, %dma_wait3A_180] : memref<40000x128xf32, #tpu.memory_space<hbm>> -> memref<40000x128xf32, #tpu.memory_space<hbm>>
        tpu.wait_indirect_dma semaphore(%arg27 : memref<!tpu.dma_semaphore, #tpu.memory_space<semaphore_mem>>) src(%dma_wait3A_181 : memref<40000x128xf32, #tpu.memory_space<hbm>>) dst(%arg20 : memref<40x128xf32, #tpu.memory_space<vmem>>)
        %dma_wait3A_182 = arith.constant 0 : i32
        %dma_wait3A_183 = arith.constant 0 : i32
        %dma_wait3A_184 = tpu.memref_slice %arg2[%dma_wait3A_182, %dma_wait3A_183] : memref<40000x128xf32, #tpu.memory_space<hbm>> -> memref<40000x128xf32, #tpu.memory_space<hbm>>
        tpu.wait_indirect_dma semaphore(%arg27 : memref<!tpu.dma_semaphore, #tpu.memory_space<semaphore_mem>>) src(%dma_wait3A_184 : memref<40000x128xf32, #tpu.memory_space<hbm>>) dst(%arg21 : memref<40x128xf32, #tpu.memory_space<vmem>>)
        %dma_wait3A_185 = arith.constant 0 : i32
        %dma_wait3A_186 = arith.constant 0 : i32
        %dma_wait3A_187 = tpu.memref_slice %arg3[%dma_wait3A_185, %dma_wait3A_186] : memref<640000x128xf32, #tpu.memory_space<hbm>> -> memref<40x128xf32, #tpu.memory_space<hbm>>
        %dma_wait3A_188 = arith.constant 0 : i32
        %dma_wait3A_189 = arith.constant 0 : i32
        %dma_wait3A_190 = tpu.memref_slice %arg3[%dma_wait3A_188, %dma_wait3A_189] : memref<640000x128xf32, #tpu.memory_space<hbm>> -> memref<40x128xf32, #tpu.memory_space<hbm>>
        tpu.wait_dma2 semaphore(%arg27 : memref<!tpu.dma_semaphore, #tpu.memory_space<semaphore_mem>>) src(%dma_wait3A_190 : memref<40x128xf32, #tpu.memory_space<hbm>>) dst(%arg22 : memref<40x128xf32, #tpu.memory_space<vmem>>)
        %scan3A_191 = arith.constant 0 : i32
        %scan3A_192 = arith.constant 40 : i32
        %scan3A_193 = arith.addi %scan3A_191, %scan3A_192 : i32
        %scan3A_194 = arith.constant 1 : i32
        scf.for %scan3A_206 = %scan3A_191 to %scan3A_193 step %scan3A_194  : i32 {
          %get3A_207 = arith.index_cast %scan3A_206 : i32 to index
          %get3A_208 = arith.constant 0 : index
          %get3A_209 = tpu.vector_load %arg20[%get3A_207, %get3A_208] {strides = array<i32>} : memref<40x128xf32, #tpu.memory_space<vmem>>, vector<1x16xf32>,
          %get3A_210 = vector.shape_cast %get3A_209 : vector<1x16xf32> to vector<16xf32>
          %get3A_211 = arith.index_cast %scan3A_206 : i32 to index
          %get3A_212 = arith.constant 0 : index
          %get3A_213 = tpu.vector_load %arg21[%get3A_211, %get3A_212] {strides = array<i32>} : memref<40x128xf32, #tpu.memory_space<vmem>>, vector<1x16xf32>,
          %get3A_214 = vector.shape_cast %get3A_213 : vector<1x16xf32> to vector<16xf32>
          %add3A_215 = arith.addf %get3A_210, %get3A_214 : vector<16xf32>
          %get3A_216 = arith.index_cast %scan3A_206 : i32 to index
          %get3A_217 = arith.constant 0 : index
          %get3A_218 = tpu.vector_load %arg22[%get3A_216, %get3A_217] {strides = array<i32>} : memref<40x128xf32, #tpu.memory_space<vmem>>, vector<1x16xf32>,
          %get3A_219 = vector.shape_cast %get3A_218 : vector<1x16xf32> to vector<16xf32>
          %add3A_220 = arith.addf %add3A_215, %get3A_219 : vector<16xf32>
          %max3A = arith.constant 0.000000e+00 : f32
          %max3A_221 = vector.broadcast %max3A : f32 to vector<16xf32>
          %max3A_222 = arith.maximumf %add3A_220, %max3A_221 : vector<16xf32>
          %swap3A_223 = arith.index_cast %scan3A_206 : i32 to index
          %swap3A_224 = arith.constant 0 : index
          %swap3A_225 = tpu.vector_load %arg20[%swap3A_223, %swap3A_224] {strides = array<i32>} : memref<40x128xf32, #tpu.memory_space<vmem>>, vector<1x16xf32>,
          %swap3A_226 = vector.shape_cast %swap3A_225 : vector<1x16xf32> to vector<16xf32>
          %swap3A_227 = vector.shape_cast %max3A_222 : vector<16xf32> to vector<1x16xf32>
          tpu.vector_store %arg20[%swap3A_223, %swap3A_224], %swap3A_227 {strides = array<i32>} : memref<40x128xf32, #tpu.memory_space<vmem>>, vector<1x16xf32>,
          %get3A_228 = arith.index_cast %scan3A_206 : i32 to index
          %get3A_229 = arith.constant 16 : index
          %get3A_230 = tpu.vector_load %arg20[%get3A_228, %get3A_229] {strides = array<i32>} : memref<40x128xf32, #tpu.memory_space<vmem>>, vector<1x16xf32>,
          %get3A_231 = vector.shape_cast %get3A_230 : vector<1x16xf32> to vector<16xf32>
          %get3A_232 = arith.index_cast %scan3A_206 : i32 to index
          %get3A_233 = arith.constant 16 : index
          %get3A_234 = tpu.vector_load %arg21[%get3A_232, %get3A_233] {strides = array<i32>} : memref<40x128xf32, #tpu.memory_space<vmem>>, vector<1x16xf32>,
          %get3A_235 = vector.shape_cast %get3A_234 : vector<1x16xf32> to vector<16xf32>
          %add3A_236 = arith.addf %get3A_231, %get3A_235 : vector<16xf32>
          %get3A_237 = arith.index_cast %scan3A_206 : i32 to index
          %get3A_238 = arith.constant 16 : index
          %get3A_239 = tpu.vector_load %arg22[%get3A_237, %get3A_238] {strides = array<i32>} : memref<40x128xf32, #tpu.memory_space<vmem>>, vector<1x16xf32>,
          %get3A_240 = vector.shape_cast %get3A_239 : vector<1x16xf32> to vector<16xf32>
          %add3A_241 = arith.addf %add3A_236, %get3A_240 : vector<16xf32>
          %max3A_242 = arith.constant 0.000000e+00 : f32
          %max3A_243 = vector.broadcast %max3A_242 : f32 to vector<16xf32>
          %max3A_244 = arith.maximumf %add3A_241, %max3A_243 : vector<16xf32>
          %swap3A_245 = arith.index_cast %scan3A_206 : i32 to index
          %swap3A_246 = arith.constant 16 : index
          %swap3A_247 = tpu.vector_load %arg20[%swap3A_245, %swap3A_246] {strides = array<i32>} : memref<40x128xf32, #tpu.memory_space<vmem>>, vector<1x16xf32>,
          %swap3A_248 = vector.shape_cast %swap3A_247 : vector<1x16xf32> to vector<16xf32>
          %swap3A_249 = vector.shape_cast %max3A_244 : vector<16xf32> to vector<1x16xf32>
          tpu.vector_store %arg20[%swap3A_245, %swap3A_246], %swap3A_249 {strides = array<i32>} : memref<40x128xf32, #tpu.memory_space<vmem>>, vector<1x16xf32>,
          %get3A_250 = arith.index_cast %scan3A_206 : i32 to index
          %get3A_251 = arith.constant 32 : index
          %get3A_252 = tpu.vector_load %arg20[%get3A_250, %get3A_251] {strides = array<i32>} : memref<40x128xf32, #tpu.memory_space<vmem>>, vector<1x16xf32>,
          %get3A_253 = vector.shape_cast %get3A_252 : vector<1x16xf32> to vector<16xf32>
          %get3A_254 = arith.index_cast %scan3A_206 : i32 to index
          %get3A_255 = arith.constant 32 : index
          %get3A_256 = tpu.vector_load %arg21[%get3A_254, %get3A_255] {strides = array<i32>} : memref<40x128xf32, #tpu.memory_space<vmem>>, vector<1x16xf32>,
          %get3A_257 = vector.shape_cast %get3A_256 : vector<1x16xf32> to vector<16xf32>
          %add3A_258 = arith.addf %get3A_253, %get3A_257 : vector<16xf32>
          %get3A_259 = arith.index_cast %scan3A_206 : i32 to index
          %get3A_260 = arith.constant 32 : index
          %get3A_261 = tpu.vector_load %arg22[%get3A_259, %get3A_260] {strides = array<i32>} : memref<40x128xf32, #tpu.memory_space<vmem>>, vector<1x16xf32>,
          %get3A_262 = vector.shape_cast %get3A_261 : vector<1x16xf32> to vector<16xf32>
          %add3A_263 = arith.addf %add3A_258, %get3A_262 : vector<16xf32>
          %max3A_264 = arith.constant 0.000000e+00 : f32
          %max3A_265 = vector.broadcast %max3A_264 : f32 to vector<16xf32>
          %max3A_266 = arith.maximumf %add3A_263, %max3A_265 : vector<16xf32>
          %swap3A_267 = arith.index_cast %scan3A_206 : i32 to index
          %swap3A_268 = arith.constant 32 : index
          %swap3A_269 = tpu.vector_load %arg20[%swap3A_267, %swap3A_268] {strides = array<i32>} : memref<40x128xf32, #tpu.memory_space<vmem>>, vector<1x16xf32>,
          %swap3A_270 = vector.shape_cast %swap3A_269 : vector<1x16xf32> to vector<16xf32>
          %swap3A_271 = vector.shape_cast %max3A_266 : vector<16xf32> to vector<1x16xf32>
          tpu.vector_store %arg20[%swap3A_267, %swap3A_268], %swap3A_271 {strides = array<i32>} : memref<40x128xf32, #tpu.memory_space<vmem>>, vector<1x16xf32>,
          %get3A_272 = arith.index_cast %scan3A_206 : i32 to index
          %get3A_273 = arith.constant 48 : index
          %get3A_274 = tpu.vector_load %arg20[%get3A_272, %get3A_273] {strides = array<i32>} : memref<40x128xf32, #tpu.memory_space<vmem>>, vector<1x16xf32>,
          %get3A_275 = vector.shape_cast %get3A_274 : vector<1x16xf32> to vector<16xf32>
          %get3A_276 = arith.index_cast %scan3A_206 : i32 to index
          %get3A_277 = arith.constant 48 : index
          %get3A_278 = tpu.vector_load %arg21[%get3A_276, %get3A_277] {strides = array<i32>} : memref<40x128xf32, #tpu.memory_space<vmem>>, vector<1x16xf32>,
          %get3A_279 = vector.shape_cast %get3A_278 : vector<1x16xf32> to vector<16xf32>
          %add3A_280 = arith.addf %get3A_275, %get3A_279 : vector<16xf32>
          %get3A_281 = arith.index_cast %scan3A_206 : i32 to index
          %get3A_282 = arith.constant 48 : index
          %get3A_283 = tpu.vector_load %arg22[%get3A_281, %get3A_282] {strides = array<i32>} : memref<40x128xf32, #tpu.memory_space<vmem>>, vector<1x16xf32>,
          %get3A_284 = vector.shape_cast %get3A_283 : vector<1x16xf32> to vector<16xf32>
          %add3A_285 = arith.addf %add3A_280, %get3A_284 : vector<16xf32>
          %max3A_286 = arith.constant 0.000000e+00 : f32
          %max3A_287 = vector.broadcast %max3A_286 : f32 to vector<16xf32>
          %max3A_288 = arith.maximumf %add3A_285, %max3A_287 : vector<16xf32>
          %swap3A_289 = arith.index_cast %scan3A_206 : i32 to index
          %swap3A_290 = arith.constant 48 : index
          %swap3A_291 = tpu.vector_load %arg20[%swap3A_289, %swap3A_290] {strides = array<i32>} : memref<40x128xf32, #tpu.memory_space<vmem>>, vector<1x16xf32>,
          %swap3A_292 = vector.shape_cast %swap3A_291 : vector<1x16xf32> to vector<16xf32>
          %swap3A_293 = vector.shape_cast %max3A_288 : vector<16xf32> to vector<1x16xf32>
          tpu.vector_store %arg20[%swap3A_289, %swap3A_290], %swap3A_293 {strides = array<i32>} : memref<40x128xf32, #tpu.memory_space<vmem>>, vector<1x16xf32>,
          %get3A_294 = arith.index_cast %scan3A_206 : i32 to index
          %get3A_295 = arith.constant 64 : index
          %get3A_296 = tpu.vector_load %arg20[%get3A_294, %get3A_295] {strides = array<i32>} : memref<40x128xf32, #tpu.memory_space<vmem>>, vector<1x16xf32>,
          %get3A_297 = vector.shape_cast %get3A_296 : vector<1x16xf32> to vector<16xf32>
          %get3A_298 = arith.index_cast %scan3A_206 : i32 to index
          %get3A_299 = arith.constant 64 : index
          %get3A_300 = tpu.vector_load %arg21[%get3A_298, %get3A_299] {strides = array<i32>} : memref<40x128xf32, #tpu.memory_space<vmem>>, vector<1x16xf32>,
          %get3A_301 = vector.shape_cast %get3A_300 : vector<1x16xf32> to vector<16xf32>
          %add3A_302 = arith.addf %get3A_297, %get3A_301 : vector<16xf32>
          %get3A_303 = arith.index_cast %scan3A_206 : i32 to index
          %get3A_304 = arith.constant 64 : index
          %get3A_305 = tpu.vector_load %arg22[%get3A_303, %get3A_304] {strides = array<i32>} : memref<40x128xf32, #tpu.memory_space<vmem>>, vector<1x16xf32>,
          %get3A_306 = vector.shape_cast %get3A_305 : vector<1x16xf32> to vector<16xf32>
          %add3A_307 = arith.addf %add3A_302, %get3A_306 : vector<16xf32>
          %max3A_308 = arith.constant 0.000000e+00 : f32
          %max3A_309 = vector.broadcast %max3A_308 : f32 to vector<16xf32>
          %max3A_310 = arith.maximumf %add3A_307, %max3A_309 : vector<16xf32>
          %swap3A_311 = arith.index_cast %scan3A_206 : i32 to index
          %swap3A_312 = arith.constant 64 : index
          %swap3A_313 = tpu.vector_load %arg20[%swap3A_311, %swap3A_312] {strides = array<i32>} : memref<40x128xf32, #tpu.memory_space<vmem>>, vector<1x16xf32>,
          %swap3A_314 = vector.shape_cast %swap3A_313 : vector<1x16xf32> to vector<16xf32>
          %swap3A_315 = vector.shape_cast %max3A_310 : vector<16xf32> to vector<1x16xf32>
          tpu.vector_store %arg20[%swap3A_311, %swap3A_312], %swap3A_315 {strides = array<i32>} : memref<40x128xf32, #tpu.memory_space<vmem>>, vector<1x16xf32>,
          %get3A_316 = arith.index_cast %scan3A_206 : i32 to index
          %get3A_317 = arith.constant 80 : index
          %get3A_318 = tpu.vector_load %arg20[%get3A_316, %get3A_317] {strides = array<i32>} : memref<40x128xf32, #tpu.memory_space<vmem>>, vector<1x16xf32>,
          %get3A_319 = vector.shape_cast %get3A_318 : vector<1x16xf32> to vector<16xf32>
          %get3A_320 = arith.index_cast %scan3A_206 : i32 to index
          %get3A_321 = arith.constant 80 : index
          %get3A_322 = tpu.vector_load %arg21[%get3A_320, %get3A_321] {strides = array<i32>} : memref<40x128xf32, #tpu.memory_space<vmem>>, vector<1x16xf32>,
          %get3A_323 = vector.shape_cast %get3A_322 : vector<1x16xf32> to vector<16xf32>
          %add3A_324 = arith.addf %get3A_319, %get3A_323 : vector<16xf32>
          %get3A_325 = arith.index_cast %scan3A_206 : i32 to index
          %get3A_326 = arith.constant 80 : index
          %get3A_327 = tpu.vector_load %arg22[%get3A_325, %get3A_326] {strides = array<i32>} : memref<40x128xf32, #tpu.memory_space<vmem>>, vector<1x16xf32>,
          %get3A_328 = vector.shape_cast %get3A_327 : vector<1x16xf32> to vector<16xf32>
          %add3A_329 = arith.addf %add3A_324, %get3A_328 : vector<16xf32>
          %max3A_330 = arith.constant 0.000000e+00 : f32
          %max3A_331 = vector.broadcast %max3A_330 : f32 to vector<16xf32>
          %max3A_332 = arith.maximumf %add3A_329, %max3A_331 : vector<16xf32>
          %swap3A_333 = arith.index_cast %scan3A_206 : i32 to index
          %swap3A_334 = arith.constant 80 : index
          %swap3A_335 = tpu.vector_load %arg20[%swap3A_333, %swap3A_334] {strides = array<i32>} : memref<40x128xf32, #tpu.memory_space<vmem>>, vector<1x16xf32>,
          %swap3A_336 = vector.shape_cast %swap3A_335 : vector<1x16xf32> to vector<16xf32>
          %swap3A_337 = vector.shape_cast %max3A_332 : vector<16xf32> to vector<1x16xf32>
          tpu.vector_store %arg20[%swap3A_333, %swap3A_334], %swap3A_337 {strides = array<i32>} : memref<40x128xf32, #tpu.memory_space<vmem>>, vector<1x16xf32>,
          %get3A_338 = arith.index_cast %scan3A_206 : i32 to index
          %get3A_339 = arith.constant 96 : index
          %get3A_340 = tpu.vector_load %arg20[%get3A_338, %get3A_339] {strides = array<i32>} : memref<40x128xf32, #tpu.memory_space<vmem>>, vector<1x16xf32>,
          %get3A_341 = vector.shape_cast %get3A_340 : vector<1x16xf32> to vector<16xf32>
          %get3A_342 = arith.index_cast %scan3A_206 : i32 to index
          %get3A_343 = arith.constant 96 : index
          %get3A_344 = tpu.vector_load %arg21[%get3A_342, %get3A_343] {strides = array<i32>} : memref<40x128xf32, #tpu.memory_space<vmem>>, vector<1x16xf32>,
          %get3A_345 = vector.shape_cast %get3A_344 : vector<1x16xf32> to vector<16xf32>
          %add3A_346 = arith.addf %get3A_341, %get3A_345 : vector<16xf32>
          %get3A_347 = arith.index_cast %scan3A_206 : i32 to index
          %get3A_348 = arith.constant 96 : index
          %get3A_349 = tpu.vector_load %arg22[%get3A_347, %get3A_348] {strides = array<i32>} : memref<40x128xf32, #tpu.memory_space<vmem>>, vector<1x16xf32>,
          %get3A_350 = vector.shape_cast %get3A_349 : vector<1x16xf32> to vector<16xf32>
          %add3A_351 = arith.addf %add3A_346, %get3A_350 : vector<16xf32>
          %max3A_352 = arith.constant 0.000000e+00 : f32
          %max3A_353 = vector.broadcast %max3A_352 : f32 to vector<16xf32>
          %max3A_354 = arith.maximumf %add3A_351, %max3A_353 : vector<16xf32>
          %swap3A_355 = arith.index_cast %scan3A_206 : i32 to index
          %swap3A_356 = arith.constant 96 : index
          %swap3A_357 = tpu.vector_load %arg20[%swap3A_355, %swap3A_356] {strides = array<i32>} : memref<40x128xf32, #tpu.memory_space<vmem>>, vector<1x16xf32>,
          %swap3A_358 = vector.shape_cast %swap3A_357 : vector<1x16xf32> to vector<16xf32>
          %swap3A_359 = vector.shape_cast %max3A_354 : vector<16xf32> to vector<1x16xf32>
          tpu.vector_store %arg20[%swap3A_355, %swap3A_356], %swap3A_359 {strides = array<i32>} : memref<40x128xf32, #tpu.memory_space<vmem>>, vector<1x16xf32>,
          %get3A_360 = arith.index_cast %scan3A_206 : i32 to index
          %get3A_361 = arith.constant 112 : index
          %get3A_362 = tpu.vector_load %arg20[%get3A_360, %get3A_361] {strides = array<i32>} : memref<40x128xf32, #tpu.memory_space<vmem>>, vector<1x16xf32>,
          %get3A_363 = vector.shape_cast %get3A_362 : vector<1x16xf32> to vector<16xf32>
          %get3A_364 = arith.index_cast %scan3A_206 : i32 to index
          %get3A_365 = arith.constant 112 : index
          %get3A_366 = tpu.vector_load %arg21[%get3A_364, %get3A_365] {strides = array<i32>} : memref<40x128xf32, #tpu.memory_space<vmem>>, vector<1x16xf32>,
          %get3A_367 = vector.shape_cast %get3A_366 : vector<1x16xf32> to vector<16xf32>
          %add3A_368 = arith.addf %get3A_363, %get3A_367 : vector<16xf32>
          %get3A_369 = arith.index_cast %scan3A_206 : i32 to index
          %get3A_370 = arith.constant 112 : index
          %get3A_371 = tpu.vector_load %arg22[%get3A_369, %get3A_370] {strides = array<i32>} : memref<40x128xf32, #tpu.memory_space<vmem>>, vector<1x16xf32>,
          %get3A_372 = vector.shape_cast %get3A_371 : vector<1x16xf32> to vector<16xf32>
          %add3A_373 = arith.addf %add3A_368, %get3A_372 : vector<16xf32>
          %max3A_374 = arith.constant 0.000000e+00 : f32
          %max3A_375 = vector.broadcast %max3A_374 : f32 to vector<16xf32>
          %max3A_376 = arith.maximumf %add3A_373, %max3A_375 : vector<16xf32>
          %swap3A_377 = arith.index_cast %scan3A_206 : i32 to index
          %swap3A_378 = arith.constant 112 : index
          %swap3A_379 = tpu.vector_load %arg20[%swap3A_377, %swap3A_378] {strides = array<i32>} : memref<40x128xf32, #tpu.memory_space<vmem>>, vector<1x16xf32>,
          %swap3A_380 = vector.shape_cast %swap3A_379 : vector<1x16xf32> to vector<16xf32>
          %swap3A_381 = vector.shape_cast %max3A_376 : vector<16xf32> to vector<1x16xf32>
          tpu.vector_store %arg20[%swap3A_377, %swap3A_378], %swap3A_381 {strides = array<i32>} : memref<40x128xf32, #tpu.memory_space<vmem>>, vector<1x16xf32>,
        }
        %scan3A_195 = arith.constant 40 : i32
        %dma_start3A_196 = arith.constant 0 : i32
        %dma_start3A_197 = arith.constant 0 : i32
        %dma_start3A_198 = tpu.memref_slice %arg23[%dma_start3A_196, %dma_start3A_197] : memref<10240x128xf32, #tpu.memory_space<vmem_shared>> -> memref<10240x128xf32, #tpu.memory_space<vmem_shared>>
        tpu.enqueue_indirect_dma source(%arg20 : memref<40x128xf32, #tpu.memory_space<vmem>>) target(%dma_start3A_198 : memref<10240x128xf32, #tpu.memory_space<vmem_shared>>) offsets(%arg16 : memref<40xi32, #tpu.memory_space<vmem>>) semaphore(%arg29 : memref<!tpu.dma_semaphore, #tpu.memory_space<semaphore_mem>>) {add = true}
        %add3A_199 = arith.constant 2 : i32
        %add3A_200 = arith.addi %scan3A_163, %add3A_199 : i32
        %lt3A_201 = arith.constant 500 : i32
        %lt3A_202 = arith.cmpi slt, %add3A_200, %lt3A_201 : i32
        %convert_element_type3A_203 = arith.extui %lt3A_202 : i1 to i32
        %cond3A_204 = arith.constant 0 : i32
        %cond3A_205 = arith.cmpi ne, %convert_element_type3A_203, %cond3A_204 : i32
        scf.if %cond3A_205 {
          %add3A_206 = arith.constant 2 : i32
          %add3A_207 = arith.addi %scan3A_163, %add3A_206 : i32
          %mul3A_208 = arith.constant 40 : i32
          %mul3A_209 = arith.muli %add3A_207, %mul3A_208 : i32
          %add3A_210 = arith.addi %mul3A_0, %mul3A_209 : i32
          %dma_start3A_211 = tpu.memref_slice %arg4[%add3A_210] : memref<320000xi32, #tpu.memory_space<hbm>> -> memref<40xi32, #tpu.memory_space<hbm>>
          %dma_start3A_212 = tpu.memref_slice %arg4[%add3A_210] : memref<320000xi32, #tpu.memory_space<hbm>> -> memref<40xi32, #tpu.memory_space<hbm>>
          tpu.enqueue_dma source(%dma_start3A_212 : memref<40xi32, #tpu.memory_space<hbm>>) target(%arg11 : memref<40xi32, #tpu.memory_space<vmem>>) target_semaphore(%arg25 : memref<!tpu.dma_semaphore, #tpu.memory_space<semaphore_mem>>)
          %mul3A_213 = arith.constant 40 : i32
          %mul3A_214 = arith.muli %add3A_207, %mul3A_213 : i32
          %add3A_215 = arith.addi %mul3A_0, %mul3A_214 : i32
          %dma_start3A_216 = tpu.memref_slice %arg5[%add3A_215] : memref<320000xi32, #tpu.memory_space<hbm>> -> memref<40xi32, #tpu.memory_space<hbm>>
          %dma_start3A_217 = tpu.memref_slice %arg5[%add3A_215] : memref<320000xi32, #tpu.memory_space<hbm>> -> memref<40xi32, #tpu.memory_space<hbm>>
          tpu.enqueue_dma source(%dma_start3A_217 : memref<40xi32, #tpu.memory_space<hbm>>) target(%arg12 : memref<40xi32, #tpu.memory_space<vmem>>) target_semaphore(%arg25 : memref<!tpu.dma_semaphore, #tpu.memory_space<semaphore_mem>>)
        } else {
        }
      } else {
      }
    }
    %scan3A_129 = arith.constant 500 : i32
    %dma_wait3A_130 = arith.constant 0 : i32
    %dma_wait3A_131 = arith.constant 0 : i32
    %dma_wait3A_132 = tpu.memref_slice %arg23[%dma_wait3A_130, %dma_wait3A_131] : memref<10240x128xf32, #tpu.memory_space<vmem_shared>> -> memref<10240x128xf32, #tpu.memory_space<vmem_shared>>
    tpu.wait_indirect_dma semaphore(%arg28 : memref<!tpu.dma_semaphore, #tpu.memory_space<semaphore_mem>>) src(%arg17 : memref<40x128xf32, #tpu.memory_space<vmem>>) dst(%dma_wait3A_132 : memref<10240x128xf32, #tpu.memory_space<vmem_shared>>)
    %dma_wait3A_133 = arith.constant 0 : i32
    %dma_wait3A_134 = arith.constant 0 : i32
    %dma_wait3A_135 = tpu.memref_slice %arg23[%dma_wait3A_133, %dma_wait3A_134] : memref<10240x128xf32, #tpu.memory_space<vmem_shared>> -> memref<10240x128xf32, #tpu.memory_space<vmem_shared>>
    tpu.wait_indirect_dma semaphore(%arg29 : memref<!tpu.dma_semaphore, #tpu.memory_space<semaphore_mem>>) src(%arg20 : memref<40x128xf32, #tpu.memory_space<vmem>>) dst(%dma_wait3A_135 : memref<10240x128xf32, #tpu.memory_space<vmem_shared>>)
    %barrier3A_136 = arith.constant 0 : index
    tpu.barrier barrier_id(%barrier3A_136)
    %mul3A_137 = arith.constant 640 : i32
    %mul3A_138 = arith.muli %arg1, %mul3A_137 : i32
    %sub3A = arith.constant 10000 : i32
    %sub3A_139 = arith.subi %sub3A, %mul3A_138 : i32
    %jit3A = arith.constant 80 : i32
    %div3A = arith.divsi %sub3A_139, %jit3A : i32
    %sign3A = arith.constant 0 : i32
    %sign3A_140 = arith.cmpi sgt, %sub3A_139, %sign3A : i32
    %sign3A_141 = arith.extui %sign3A_140 : i1 to i32
    %sign3A_142 = arith.constant 0 : i32
    %sign3A_143 = arith.cmpi slt, %sub3A_139, %sign3A_142 : i32
    %sign3A_144 = arith.extui %sign3A_143 : i1 to i32
    %sign3A_145 = arith.subi %sign3A_141, %sign3A_144 : i32
    %sign3A_146 = arith.constant 0 : i32
    %sign3A_147 = arith.cmpi sgt, %jit3A, %sign3A_146 : i32
    %sign3A_148 = arith.extui %sign3A_147 : i1 to i32
    %sign3A_149 = arith.constant 0 : i32
    %sign3A_150 = arith.cmpi slt, %jit3A, %sign3A_149 : i32
    %sign3A_151 = arith.extui %sign3A_150 : i1 to i32
    %sign3A_152 = arith.subi %sign3A_148, %sign3A_151 : i32
    %ne3A = arith.cmpi ne, %sign3A_145, %sign3A_152 : i32
    %rem3A = arith.remsi %sub3A_139, %jit3A : i32
    %ne3A_153 = arith.constant 0 : i32
    %ne3A_154 = arith.cmpi ne, %rem3A, %ne3A_153 : i32
    %and3A = arith.andi %ne3A, %ne3A_154 : i1
    %sub3A_155 = arith.constant 1 : i32
    %sub3A_156 = arith.subi %div3A, %sub3A_155 : i32
    %select_n3A = arith.select %and3A, %sub3A_156, %div3A : i32
    %min3A = arith.constant 8 : i32
    %min3A_157 = arith.minsi %min3A, %select_n3A : i32
    %scan3A_158 = arith.constant 0 : i32
    %scan3A_159 = arith.constant 8 : i32
    %scan3A_160 = arith.addi %scan3A_158, %scan3A_159 : i32
    %scan3A_161 = arith.constant 1 : i32
    scf.for %scan3A_163 = %scan3A_158 to %scan3A_160 step %scan3A_161  : i32 {
      %lt3A = arith.cmpi slt, %scan3A_163, %min3A_157 : i32
      %convert_element_type3A = arith.extui %lt3A : i1 to i32
      %cond3A = arith.constant 0 : i32
      %cond3A_164 = arith.cmpi ne, %convert_element_type3A, %cond3A : i32
      scf.if %cond3A_164 {
        %mul3A_165 = arith.constant 80 : i32
        %mul3A_166 = arith.muli %scan3A_163, %mul3A_165 : i32
        %add3A_167 = arith.addi %mul3A_138, %mul3A_166 : i32
        %mul3A_168 = arith.constant 10000 : i32
        %mul3A_169 = arith.muli %arg0, %mul3A_168 : i32
        %add3A_170 = arith.addi %mul3A_169, %mul3A_138 : i32
        %mul3A_171 = arith.constant 80 : i32
        %mul3A_172 = arith.muli %scan3A_163, %mul3A_171 : i32
        %add3A_173 = arith.addi %add3A_170, %mul3A_172 : i32
        "tpu.region"() ({
          %run_scoped3A = tpu.sem_alloc : memref<!tpu.dma_semaphore, #tpu.memory_space<semaphore_mem>>
          %dma_start3A_174 = arith.constant 0 : i32
          %dma_start3A_175 = tpu.memref_slice %arg6[%add3A_173, %dma_start3A_174] : memref<20000x128xf32, #tpu.memory_space<hbm>> -> memref<80x128xf32, #tpu.memory_space<hbm>>
          %dma_start3A_176 = arith.constant 0 : i32
          %dma_start3A_177 = tpu.memref_slice %arg23[%add3A_167, %dma_start3A_176] : memref<10240x128xf32, #tpu.memory_space<vmem_shared>> -> memref<80x128xf32, #tpu.memory_space<vmem_shared>>
          tpu.enqueue_dma source(%dma_start3A_177 : memref<80x128xf32, #tpu.memory_space<vmem_shared>>) target(%dma_start3A_175 : memref<80x128xf32, #tpu.memory_space<hbm>>) target_semaphore(%run_scoped3A : memref<!tpu.dma_semaphore, #tpu.memory_space<semaphore_mem>>)
          %dma_wait3A_178 = arith.constant 0 : i32
          %dma_wait3A_179 = tpu.memref_slice %arg6[%add3A_173, %dma_wait3A_178] : memref<20000x128xf32, #tpu.memory_space<hbm>> -> memref<80x128xf32, #tpu.memory_space<hbm>>
          %dma_wait3A_180 = arith.constant 0 : i32
          %dma_wait3A_181 = tpu.memref_slice %arg23[%add3A_167, %dma_wait3A_180] : memref<10240x128xf32, #tpu.memory_space<vmem_shared>> -> memref<80x128xf32, #tpu.memory_space<vmem_shared>>
          tpu.wait_dma2 semaphore(%run_scoped3A : memref<!tpu.dma_semaphore, #tpu.memory_space<semaphore_mem>>) src(%dma_wait3A_181 : memref<80x128xf32, #tpu.memory_space<vmem_shared>>) dst(%dma_wait3A_179 : memref<80x128xf32, #tpu.memory_space<hbm>>)
          tpu.yield
        }) : () -> ()
      } else {
      }
    }
    %scan3A_162 = arith.constant 8 : i32
    return
  }
}

module attributes {stable_mosaic.version = 14 : i64} {
  func.func @_table_body(%arg0: i32, %arg1: memref<10000x128xf32, #tpu.memory_space<vmem>>, %arg2: memref<1x128x128xf32, #tpu.memory_space<vmem>>, %arg3: memref<1x10000x128xf32, #tpu.memory_space<vmem>>) attributes {dimension_semantics = [#tpu.dimension_semantics<arbitrary>], iteration_bounds = array<i64: 4>, scalar_prefetch = 0 : i64, scratch_operands = 0 : i64, tpu.core_type = #tpu.core_type<tc>, window_params = [{pipeline_mode = #tpu.pipeline_mode<synchronous>, transform_indices = @transform_0, window_bounds = array<i64: 10000, 128>}, {transform_indices = @transform_1, window_bounds = array<i64: 1, 128, 128>}, {transform_indices = @transform_2, window_bounds = array<i64: 1, 10000, 128>}]} {
    %get3A = arith.constant 0 : index
    %get3A_0 = arith.constant 0 : index
    %get3A_1 = vector.load %arg1[%get3A, %get3A_0] : memref<10000x128xf32, #tpu.memory_space<vmem>>, vector<10000x128xf32>
    %get3A_2 = arith.constant 0 : index
    %get3A_3 = arith.constant 0 : index
    %get3A_4 = arith.constant 0 : index
    %get3A_5 = vector.load %arg2[%get3A_2, %get3A_3, %get3A_4] : memref<1x128x128xf32, #tpu.memory_space<vmem>>, vector<1x128x128xf32>
    %get3A_6 = vector.shape_cast %get3A_5 : vector<1x128x128xf32> to vector<128x128xf32>
    %dot_general3A = arith.constant dense<0.000000e+00> : vector<10000x128xf32>
    %dot_general3A_7 = tpu.matmul %get3A_1, %get3A_6, %dot_general3A {dimension_numbers = #tpu.dot_dimension_numbers<[1], [0], [0], [1], [0, 0, 1, 1], [], []>, transpose_lhs_hint = false} : vector<10000x128xf32>, vector<128x128xf32>, vector<10000x128xf32> -> vector<10000x128xf32>
    %swap3A = arith.constant 0 : index
    %swap3A_8 = arith.constant 0 : index
    %swap3A_9 = arith.constant 0 : index
    %swap3A_10 = vector.load %arg3[%swap3A, %swap3A_8, %swap3A_9] : memref<1x10000x128xf32, #tpu.memory_space<vmem>>, vector<1x10000x128xf32>
    %swap3A_11 = vector.shape_cast %swap3A_10 : vector<1x10000x128xf32> to vector<10000x128xf32>
    %swap3A_12 = vector.shape_cast %dot_general3A_7 : vector<10000x128xf32> to vector<1x10000x128xf32>
    tpu.vector_store %arg3[%swap3A, %swap3A_8, %swap3A_9], %swap3A_12 {strides = array<i32>} : memref<1x10000x128xf32, #tpu.memory_space<vmem>>, vector<1x10000x128xf32>,
    return
  }
  func.func @transform_0(%arg0: i32) -> (i32, i32) {
    %c0_i32 = arith.constant 0 : i32
    %c0_i32_0 = arith.constant 0 : i32
    %c0_i32_1 = arith.constant 0 : i32
    return %c0_i32, %c0_i32_0 : i32, i32
  }
  func.func @transform_1(%arg0: i32) -> (i32, i32, i32) {
    %c0_i32 = arith.constant 0 : i32
    %c0_i32_0 = arith.constant 0 : i32
    %c0_i32_1 = arith.constant 0 : i32
    return %arg0, %c0_i32, %c0_i32_0 : i32, i32, i32
  }
  func.func @transform_2(%arg0: i32) -> (i32, i32, i32) {
    %c0_i32 = arith.constant 0 : i32
    %c0_i32_0 = arith.constant 0 : i32
    %c0_i32_1 = arith.constant 0 : i32
    return %arg0, %c0_i32, %c0_i32_0 : i32, i32, i32
  }
}

module attributes {stable_mosaic.version = 14 : i64} {
  func.func @_eproj_body(%arg0: i32, %arg1: i32, %arg2: memref<8000x16xf32, #tpu.memory_space<vmem>>, %arg3: memref<1x16x128xf32, #tpu.memory_space<vmem>>, %arg4: memref<1x1x128xf32, #tpu.memory_space<vmem>>, %arg5: memref<1x8000x128xf32, #tpu.memory_space<vmem>>) attributes {dimension_semantics = [#tpu.dimension_semantics<arbitrary>, #tpu.dimension_semantics<arbitrary>], iteration_bounds = array<i64: 2, 40>, scalar_prefetch = 0 : i64, scratch_operands = 0 : i64, tpu.core_type = #tpu.core_type<tc>, window_params = [{transform_indices = @transform_0, window_bounds = array<i64: 8000, 16>}, {transform_indices = @transform_1, window_bounds = array<i64: 1, 16, 128>}, {transform_indices = @transform_2, window_bounds = array<i64: 1, 1, 128>}, {transform_indices = @transform_3, window_bounds = array<i64: 1, 8000, 128>}]} {
    %get3A = arith.constant 0 : index
    %get3A_0 = arith.constant 0 : index
    %get3A_1 = vector.load %arg2[%get3A, %get3A_0] : memref<8000x16xf32, #tpu.memory_space<vmem>>, vector<8000x16xf32>
    %get3A_2 = arith.constant 0 : index
    %get3A_3 = arith.constant 0 : index
    %get3A_4 = arith.constant 0 : index
    %get3A_5 = vector.load %arg3[%get3A_2, %get3A_3, %get3A_4] : memref<1x16x128xf32, #tpu.memory_space<vmem>>, vector<1x16x128xf32>
    %get3A_6 = vector.shape_cast %get3A_5 : vector<1x16x128xf32> to vector<16x128xf32>
    %dot_general3A = arith.constant dense<0.000000e+00> : vector<8000x128xf32>
    %dot_general3A_7 = tpu.matmul %get3A_1, %get3A_6, %dot_general3A {dimension_numbers = #tpu.dot_dimension_numbers<[1], [0], [0], [1], [0, 0, 1, 1], [], []>, transpose_lhs_hint = false} : vector<8000x16xf32>, vector<16x128xf32>, vector<8000x128xf32> -> vector<8000x128xf32>
    %get3A_8 = arith.constant 0 : index
    %get3A_9 = arith.constant 0 : index
    %get3A_10 = arith.constant 0 : index
    %get3A_11 = vector.load %arg4[%get3A_8, %get3A_9, %get3A_10] : memref<1x1x128xf32, #tpu.memory_space<vmem>>, vector<1x1x128xf32>
    %get3A_12 = vector.shape_cast %get3A_11 : vector<1x1x128xf32> to vector<1x128xf32>
    %add3A = vector.broadcast %get3A_12 : vector<1x128xf32> to vector<8000x128xf32>
    %add3A_13 = arith.addf %dot_general3A_7, %add3A : vector<8000x128xf32>
    %swap3A = arith.constant 0 : index
    %swap3A_14 = arith.constant 0 : index
    %swap3A_15 = arith.constant 0 : index
    %swap3A_16 = vector.load %arg5[%swap3A, %swap3A_14, %swap3A_15] : memref<1x8000x128xf32, #tpu.memory_space<vmem>>, vector<1x8000x128xf32>
    %swap3A_17 = vector.shape_cast %swap3A_16 : vector<1x8000x128xf32> to vector<8000x128xf32>
    %swap3A_18 = vector.shape_cast %add3A_13 : vector<8000x128xf32> to vector<1x8000x128xf32>
    tpu.vector_store %arg5[%swap3A, %swap3A_14, %swap3A_15], %swap3A_18 {strides = array<i32>} : memref<1x8000x128xf32, #tpu.memory_space<vmem>>, vector<1x8000x128xf32>,
    return
  }
  func.func @transform_0(%arg0: i32, %arg1: i32) -> (i32, i32) {
    %c0_i32 = arith.constant 0 : i32
    %c0_i32_0 = arith.constant 0 : i32
    return %arg1, %c0_i32 : i32, i32
  }
  func.func @transform_1(%arg0: i32, %arg1: i32) -> (i32, i32, i32) {
    %c0_i32 = arith.constant 0 : i32
    %c0_i32_0 = arith.constant 0 : i32
    %c0_i32_1 = arith.constant 0 : i32
    return %arg0, %c0_i32, %c0_i32_0 : i32, i32, i32
  }
  func.func @transform_2(%arg0: i32, %arg1: i32) -> (i32, i32, i32) {
    %c0_i32 = arith.constant 0 : i32
    %c0_i32_0 = arith.constant 0 : i32
    %c0_i32_1 = arith.constant 0 : i32
    return %arg0, %c0_i32, %c0_i32_0 : i32, i32, i32
  }
  func.func @transform_3(%arg0: i32, %arg1: i32) -> (i32, i32, i32) {
    %c0_i32 = arith.constant 0 : i32
    %c0_i32_0 = arith.constant 0 : i32
    return %arg0, %arg1, %c0_i32 : i32, i32, i32
  }
}

module attributes {stable_mosaic.version = 14 : i64} {
  func.func @_final_body(%arg0: i32, %arg1: memref<2000x128xf32, #tpu.memory_space<vmem>>, %arg2: memref<2x2000x128xf32, #tpu.memory_space<vmem>>, %arg3: memref<256x128xf32, #tpu.memory_space<vmem>>, %arg4: memref<1x128xf32, #tpu.memory_space<vmem>>, %arg5: memref<256x128xf32, #tpu.memory_space<vmem>>, %arg6: memref<1x128xf32, #tpu.memory_space<vmem>>, %arg7: memref<1x2xf32, #tpu.memory_space<vmem>>, %arg8: memref<2000x128xf32, #tpu.memory_space<vmem>>) attributes {dimension_semantics = [#tpu.dimension_semantics<arbitrary>], iteration_bounds = array<i64: 5>, scalar_prefetch = 0 : i64, scratch_operands = 0 : i64, tpu.core_type = #tpu.core_type<tc>, window_params = [{transform_indices = @transform_0, window_bounds = array<i64: 2000, 128>}, {transform_indices = @transform_1, window_bounds = array<i64: 2, 2000, 128>}, {pipeline_mode = #tpu.pipeline_mode<synchronous>, transform_indices = @transform_2, window_bounds = array<i64: 256, 128>}, {pipeline_mode = #tpu.pipeline_mode<synchronous>, transform_indices = @transform_3, window_bounds = array<i64: 1, 128>}, {pipeline_mode = #tpu.pipeline_mode<synchronous>, transform_indices = @transform_4, window_bounds = array<i64: 256, 128>}, {pipeline_mode = #tpu.pipeline_mode<synchronous>, transform_indices = @transform_5, window_bounds = array<i64: 1, 128>}, {pipeline_mode = #tpu.pipeline_mode<synchronous>, transform_indices = @transform_6, window_bounds = array<i64: 1, 2>}, {transform_indices = @transform_7, window_bounds = array<i64: 2000, 128>}]} {
    %get3A = arith.constant 0 : index
    %get3A_0 = arith.constant 0 : index
    %get3A_1 = vector.load %arg1[%get3A, %get3A_0] : memref<2000x128xf32, #tpu.memory_space<vmem>>, vector<2000x128xf32>
    %get3A_2 = arith.constant 0 : index
    %get3A_3 = arith.constant 0 : index
    %get3A_4 = vector.load %arg3[%get3A_2, %get3A_3] : memref<256x128xf32, #tpu.memory_space<vmem>>, vector<128x128xf32>
    %dot_general3A = arith.constant dense<0.000000e+00> : vector<2000x128xf32>
    %dot_general3A_5 = tpu.matmul %get3A_1, %get3A_4, %dot_general3A {dimension_numbers = #tpu.dot_dimension_numbers<[1], [0], [0], [1], [0, 0, 1, 1], [], []>, transpose_lhs_hint = false} : vector<2000x128xf32>, vector<128x128xf32>, vector<2000x128xf32> -> vector<2000x128xf32>
    %get3A_6 = arith.constant 0 : index
    %get3A_7 = arith.constant 0 : index
    %get3A_8 = arith.constant 0 : index
    %get3A_9 = vector.load %arg2[%get3A_6, %get3A_7, %get3A_8] : memref<2x2000x128xf32, #tpu.memory_space<vmem>>, vector<1x2000x128xf32>
    %get3A_10 = vector.shape_cast %get3A_9 : vector<1x2000x128xf32> to vector<2000x128xf32>
    %get3A_11 = arith.constant 128 : index
    %get3A_12 = arith.constant 0 : index
    %get3A_13 = vector.load %arg3[%get3A_11, %get3A_12] : memref<256x128xf32, #tpu.memory_space<vmem>>, vector<128x128xf32>
    %dot_general3A_14 = arith.constant dense<0.000000e+00> : vector<2000x128xf32>
    %dot_general3A_15 = tpu.matmul %get3A_10, %get3A_13, %dot_general3A_14 {dimension_numbers = #tpu.dot_dimension_numbers<[1], [0], [0], [1], [0, 0, 1, 1], [], []>, transpose_lhs_hint = false} : vector<2000x128xf32>, vector<128x128xf32>, vector<2000x128xf32> -> vector<2000x128xf32>
    %add3A = arith.addf %dot_general3A_5, %dot_general3A_15 : vector<2000x128xf32>
    %get3A_16 = arith.constant 0 : index
    %get3A_17 = arith.constant 0 : index
    %get3A_18 = vector.load %arg4[%get3A_16, %get3A_17] : memref<1x128xf32, #tpu.memory_space<vmem>>, vector<1x128xf32>
    %get3A_19 = vector.shape_cast %get3A_18 : vector<1x128xf32> to vector<128xf32>
    %broadcast_in_dim3A = vector.shape_cast %get3A_19 : vector<128xf32> to vector<1x128xf32>
    %add3A_20 = vector.broadcast %broadcast_in_dim3A : vector<1x128xf32> to vector<2000x128xf32>
    %add3A_21 = arith.addf %add3A, %add3A_20 : vector<2000x128xf32>
    %get3A_22 = arith.constant 0 : index
    %get3A_23 = arith.constant 0 : index
    %get3A_24 = vector.load %arg5[%get3A_22, %get3A_23] : memref<256x128xf32, #tpu.memory_space<vmem>>, vector<128x128xf32>
    %dot_general3A_25 = arith.constant dense<0.000000e+00> : vector<2000x128xf32>
    %dot_general3A_26 = tpu.matmul %get3A_1, %get3A_24, %dot_general3A_25 {dimension_numbers = #tpu.dot_dimension_numbers<[1], [0], [0], [1], [0, 0, 1, 1], [], []>, transpose_lhs_hint = false} : vector<2000x128xf32>, vector<128x128xf32>, vector<2000x128xf32> -> vector<2000x128xf32>
    %get3A_27 = arith.constant 1 : index
    %get3A_28 = arith.constant 0 : index
    %get3A_29 = arith.constant 0 : index
    %get3A_30 = vector.load %arg2[%get3A_27, %get3A_28, %get3A_29] : memref<2x2000x128xf32, #tpu.memory_space<vmem>>, vector<1x2000x128xf32>
    %get3A_31 = vector.shape_cast %get3A_30 : vector<1x2000x128xf32> to vector<2000x128xf32>
    %get3A_32 = arith.constant 128 : index
    %get3A_33 = arith.constant 0 : index
    %get3A_34 = vector.load %arg5[%get3A_32, %get3A_33] : memref<256x128xf32, #tpu.memory_space<vmem>>, vector<128x128xf32>
    %dot_general3A_35 = arith.constant dense<0.000000e+00> : vector<2000x128xf32>
    %dot_general3A_36 = tpu.matmul %get3A_31, %get3A_34, %dot_general3A_35 {dimension_numbers = #tpu.dot_dimension_numbers<[1], [0], [0], [1], [0, 0, 1, 1], [], []>, transpose_lhs_hint = false} : vector<2000x128xf32>, vector<128x128xf32>, vector<2000x128xf32> -> vector<2000x128xf32>
    %add3A_37 = arith.addf %dot_general3A_26, %dot_general3A_36 : vector<2000x128xf32>
    %get3A_38 = arith.constant 0 : index
    %get3A_39 = arith.constant 0 : index
    %get3A_40 = vector.load %arg6[%get3A_38, %get3A_39] : memref<1x128xf32, #tpu.memory_space<vmem>>, vector<1x128xf32>
    %get3A_41 = vector.shape_cast %get3A_40 : vector<1x128xf32> to vector<128xf32>
    %broadcast_in_dim3A_42 = vector.shape_cast %get3A_41 : vector<128xf32> to vector<1x128xf32>
    %add3A_43 = vector.broadcast %broadcast_in_dim3A_42 : vector<1x128xf32> to vector<2000x128xf32>
    %add3A_44 = arith.addf %add3A_37, %add3A_43 : vector<2000x128xf32>
    %get3A_45 = arith.constant 0 : index
    %get3A_46 = arith.constant 0 : index
    %get3A_47 = vector.load %arg7[%get3A_45, %get3A_46] : memref<1x2xf32, #tpu.memory_space<vmem>>, vector<1x1xf32>
    %get3A_48 = vector.extract %get3A_47[0, 0] : f32 from vector<1x1xf32>
    %mul3A = vector.broadcast %get3A_48 : f32 to vector<2000x128xf32>
    %mul3A_49 = arith.mulf %mul3A, %add3A_21 : vector<2000x128xf32>
    %get3A_50 = arith.constant 0 : index
    %get3A_51 = arith.constant 1 : index
    %get3A_52 = vector.load %arg7[%get3A_50, %get3A_51] : memref<1x2xf32, #tpu.memory_space<vmem>>, vector<1x1xf32>
    %get3A_53 = vector.extract %get3A_52[0, 0] : f32 from vector<1x1xf32>
    %mul3A_54 = vector.broadcast %get3A_53 : f32 to vector<2000x128xf32>
    %mul3A_55 = arith.mulf %mul3A_54, %add3A_44 : vector<2000x128xf32>
    %add3A_56 = arith.addf %mul3A_49, %mul3A_55 : vector<2000x128xf32>
    %swap3A = arith.constant 0 : index
    %swap3A_57 = arith.constant 0 : index
    %swap3A_58 = vector.load %arg8[%swap3A, %swap3A_57] : memref<2000x128xf32, #tpu.memory_space<vmem>>, vector<2000x128xf32>
    tpu.vector_store %arg8[%swap3A, %swap3A_57], %add3A_56 {strides = array<i32>} : memref<2000x128xf32, #tpu.memory_space<vmem>>, vector<2000x128xf32>,
    return
  }
  func.func @transform_0(%arg0: i32) -> (i32, i32) {
    %c0_i32 = arith.constant 0 : i32
    %c0_i32_0 = arith.constant 0 : i32
    return %arg0, %c0_i32 : i32, i32
  }
  func.func @transform_1(%arg0: i32) -> (i32, i32, i32) {
    %c0_i32 = arith.constant 0 : i32
    %c0_i32_0 = arith.constant 0 : i32
    %c0_i32_1 = arith.constant 0 : i32
    return %c0_i32, %arg0, %c0_i32_0 : i32, i32, i32
  }
  func.func @transform_2(%arg0: i32) -> (i32, i32) {
    %c0_i32 = arith.constant 0 : i32
    %c0_i32_0 = arith.constant 0 : i32
    %c0_i32_1 = arith.constant 0 : i32
    return %c0_i32, %c0_i32_0 : i32, i32
  }
  func.func @transform_3(%arg0: i32) -> (i32, i32) {
    %c0_i32 = arith.constant 0 : i32
    %c0_i32_0 = arith.constant 0 : i32
    %c0_i32_1 = arith.constant 0 : i32
    return %c0_i32, %c0_i32_0 : i32, i32
  }
  func.func @transform_4(%arg0: i32) -> (i32, i32) {
    %c0_i32 = arith.constant 0 : i32
    %c0_i32_0 = arith.constant 0 : i32
    %c0_i32_1 = arith.constant 0 : i32
    return %c0_i32, %c0_i32_0 : i32, i32
  }
  func.func @transform_5(%arg0: i32) -> (i32, i32) {
    %c0_i32 = arith.constant 0 : i32
    %c0_i32_0 = arith.constant 0 : i32
    %c0_i32_1 = arith.constant 0 : i32
    return %c0_i32, %c0_i32_0 : i32, i32
  }
  func.func @transform_6(%arg0: i32) -> (i32, i32) {
    %c0_i32 = arith.constant 0 : i32
    %c0_i32_0 = arith.constant 0 : i32
    %c0_i32_1 = arith.constant 0 : i32
    return %c0_i32, %c0_i32_0 : i32, i32
  }
  func.func @transform_7(%arg0: i32) -> (i32, i32) {
    %c0_i32 = arith.constant 0 : i32
    %c0_i32_0 = arith.constant 0 : i32
    return %arg0, %c0_i32 : i32, i32
  }
}

</mosaic_0001>

<sc_bundles>
// kernel: kernel.6.cloned.1.call-start
scs
__scs_entry_jumppad:
0x0: {  	(pc) =	sbr.rel $0x88, $3  }
0x1: {  	(tag) =	ssettag $0x0;
	lr =	simm.s32 $0x1  }
0x2: {  	[smem:$0x3F94] =	sst lr;
	_ =	strace $0xD0000000  }
0x3: {  	_ = 	snop  }
0x4: {  	_ = 	snop  }
0x5: {  	_ = 	snop  }
0x6: {  	_ = 	snop  }
0x7: {  	_ = 	snop  }
__scs_overlays_trampoline_lowered:
0x8: {  	[smem:$0x3FA3] =	sst s0  }
0x9: {  	[smem:$0x3FA4] =	sst s1  }
0xa: {  	[smem:$0x3FA5] =	sst s2  }
0xb: {  	[smem:$0x3FA6] =	sst s3  }
0xc: {  	[smem:$0x3FA7] =	sst s4  }
0xd: {  	[smem:$0x3FA8] =	sst s5  }
0xe: {  	[smem:$0x3FA9] =	sst s6  }
0xf: {  	[smem:$0x3FAA] =	sst s7  }
0x10: {  	[smem:$0x3FAB] =	sst s8  }
0x11: {  	[smem:$0x3FAC] =	sst s9;
	s0 =	simm.s32 @!p0 $0x0  }
0x12: {  	s1 =	sld [smem:$0x3F92];
	s0 =	simm.s32 @p0 $0x1  }
0x13: {  	[smem:$0x3FAD] =	sst s0;
	s0 =	simm.s32 @!p1 $0x0  }
0x14: {  	s2 =	sld [smem:$0x3F91];
	s0 =	simm.s32 @p1 $0x1  }
0x15: {  	[smem:$0x3FAE] =	sst s0;
	s0 =	simm.s32 @!p2 $0x0  }
0x16: {  	s3 =	sld [smem:$0x3FDB];
	s0 =	simm.s32 @p2 $0x1  }
0x17: {  	s4 =	simm.s32 $0x1BF5;
	[smem:$0x3FB0] =	sst s0  }
0x18: {  	s0 =	sld [smem:$0x3F93];
	_ =	swait.ge [sflag:s4], $0x0  }
0x19: {  	s7 =	sld [smem:$0x3F94]  }
0x1a: {  	s8 =	sadd.s32 $0xFFFFE003, lr  }
0x1b: {  	s9 =	sadd.s32 $0xFFFFFEF7, lr;
	s5 =	simm.s32 $0xFFFFFFFF;
	p2 =	slt.u32 s8, $0xFFFFF086  }
0x1c: {  	p1 =	slt.u32 s9, $0xF7A;
	s5 =	simm.s32 @!p2 $0x0  }
0x1d: {  	s5 =	simm.s32 @p1 $0x1;
	p0 =	seq.s32 s7, s2  }
0x1e: {  	s7 =	smul.u32 @!p0 $0xF7A, s2;
	p2 =	seq.s32 @!p0 s5, $0x0  }
0x1f: {  	s9 =	smul.u32 $0xF7A, s1;
	s8 =	simm.s32 @!p0 $0x1BF5;
	p2 =	por !p2, p0  }
0x20: {  	[sflag:s8] =	ssyncset.s32 @!p0 $0xFFFFF086;
	s6 =	sadd.s32 @!p0 s3, s7;
	s7 =	simm.s32 @!p0 $0x108  }
0x21: {  	s3 =	sadd.s32 s3, s9;
	s6 =	sadd.s32 @!p0 $0x88, s6;
	s7 =	simm.s32 @p2 $0x1082  }
0x22: {  	[simem:s7], [sflag:s8] =	dma.local @!p0 [hbm:s6], $0xF7A  }
0x23: {  	s9 =	sor.u32 $0xD0000000, s2;
	s6 =	simm.s32 $0x108;
	_ =	swait.ge @!p0 [sflag:s8], $0x0  }
0x24: {  	s3 =	sadd.s32 $0x88, s3;
	s6 =	simm.s32 @!p1 $0x1082;
	[sflag:s4] =	ssyncset.s32 $0xFFFFF086  }
0x25: {  	[simem:s6], [sflag:s4] =	dma.local [hbm:s3], $0xF7A  }
0x26: {  	[smem:$0x3F94] =	sst s1;
	(tag) =	ssettag s2;
	_ =	strace s9  }
0x27: {  	s1 =	sld [smem:$0x3FA4]  }
0x28: {  	s2 =	sld [smem:$0x3FA5]  }
0x29: {  	s4 =	sld [smem:$0x3FA7]  }
0x2a: {  	p0 =	seq.s32 s5, $0x0;
	s5 =	sld [smem:$0x3FA8]  }
0x2b: {  	s6 =	sld [smem:$0x3FA9]  }
0x2c: {  	s7 =	sld [smem:$0x3FAA]  }
0x2d: {  	s3 =	simm.s32 $0x108;
	s8 =	sld [smem:$0x3FAB]  }
0x2e: {  	s3 =	simm.s32 @!p0 $0x1082;
	s9 =	sld [smem:$0x3FAC]  }
0x2f: {  	lr =	sadd.s32 s0, s3;
	s0 =	sld [smem:$0x3FA3]  }
0x30: {  	s3 =	sld [smem:$0x3FA6]  }
0x31: {  	[smem:$0x3FAF] =	sst s10  }
0x32: {  	s10 =	sld [smem:$0x3FAD];
	_ =	sdelay $0x3  }
0x33: {  	p0 =	seq.s32 s10, $0x1;
	s10 =	sld [smem:$0x3FAF];
	_ =	sdelay $0x3  }
0x34: {  	[smem:$0x3FAF] =	sst s10  }
0x35: {  	s10 =	sld [smem:$0x3FAE];
	_ =	sdelay $0x3  }
0x36: {  	p1 =	seq.s32 s10, $0x1;
	s10 =	sld [smem:$0x3FAF];
	_ =	sdelay $0x3  }
0x37: {  	[smem:$0x3FAF] =	sst s10  }
0x38: {  	s10 =	sld [smem:$0x3FB0]  }
0x39: {  	_ = 	snop;
	(pc) =	sbr.ind lr, $3  }
0x3a: {  	_ = 	snop  }
0x3b: {  	_ = 	snop  }
0x3c: {  	p2 =	seq.s32 s10, $0x1;
	s10 =	sld [smem:$0x3FAF]  }
0x3d: {  	_ =	shalt  }
0x3e: {  	_ =	shalt  }
0x3f: {  	_ =	shalt  }
0x40: {  	_ =	shalt  }
0x41: {  	_ =	shalt  }
0x42: {  	_ =	shalt  }
0x43: {  	_ =	shalt  }
0x44: {  	_ =	shalt  }
0x45: {  	_ =	shalt  }
0x46: {  	_ =	shalt  }
0x47: {  	_ =	shalt  }
0x48: {  	_ =	shalt  }
0x49: {  	_ =	shalt  }
0x4a: {  	_ =	shalt  }
0x4b: {  	_ =	shalt  }
0x4c: {  	_ =	shalt  }
0x4d: {  	_ =	shalt  }
0x4e: {  	_ =	shalt  }
0x4f: {  	_ =	shalt  }
0x50: {  	_ =	shalt  }
0x51: {  	_ =	shalt  }
0x52: {  	_ =	shalt  }
0x53: {  	_ =	shalt  }
0x54: {  	_ =	shalt  }
0x55: {  	_ =	shalt  }
0x56: {  	_ =	shalt  }
0x57: {  	_ =	shalt  }
0x58: {  	_ =	shalt  }
0x59: {  	_ =	shalt  }
0x5a: {  	_ =	shalt  }
0x5b: {  	_ =	shalt  }
0x5c: {  	_ =	shalt  }
0x5d: {  	_ =	shalt  }
0x5e: {  	_ =	shalt  }
0x5f: {  	_ =	shalt  }
0x60: {  	_ =	shalt  }
0x61: {  	_ =	shalt  }
0x62: {  	_ =	shalt  }
0x63: {  	_ =	shalt  }
0x64: {  	_ =	shalt  }
0x65: {  	_ =	shalt  }
0x66: {  	_ =	shalt  }
0x67: {  	_ =	shalt  }
0x68: {  	_ =	shalt  }
0x69: {  	_ =	shalt  }
0x6a: {  	_ =	shalt  }
0x6b: {  	_ =	shalt  }
0x6c: {  	_ =	shalt  }
0x6d: {  	_ =	shalt  }
0x6e: {  	_ =	shalt  }
0x6f: {  	_ =	shalt  }
0x70: {  	_ =	shalt  }
0x71: {  	_ =	shalt  }
0x72: {  	_ =	shalt  }
0x73: {  	_ =	shalt  }
0x74: {  	_ =	shalt  }
0x75: {  	_ =	shalt  }
0x76: {  	_ =	shalt  }
0x77: {  	_ =	shalt  }
0x78: {  	_ =	shalt  }
0x79: {  	_ =	shalt  }
0x7a: {  	_ =	shalt  }
0x7b: {  	_ =	shalt  }
0x7c: {  	_ =	shalt  }
0x7d: {  	_ =	shalt  }
0x7e: {  	_ =	shalt  }
0x7f: {  	_ =	shalt  }
0x80: {  	_ =	shalt  }
0x81: {  	_ =	shalt  }
0x82: {  	_ =	shalt  }
0x83: {  	_ =	shalt  }
0x84: {  	_ =	shalt  }
0x85: {  	_ =	shalt  }
0x86: {  	_ =	shalt  }
0x87: {  	_ =	shalt  }
.Lfunc_end0:
.L_simem_size_0:
called_computation_lowered:
.L_overlay_start_0:
0x88: {  	s2 =	sld [smem:$0x3FD9]  }
0x89: {  	s3 =	sld [smem:$0x3FFE];
	_ =	sdelay $0x1  }
0x8a: {  	s1 =	srdreg.scid  }
0x8b: {  	s0 =	sand.u32 $0x1, s1  }
0x8c: {  	s17 =	sshll.u32 s0, $0xA;
	s2 =	sadd.s32 s3, s2  }
0x8d: {  	s2 =	sadd.s32 s2, s17  }
0x8e: {  	[smem:$0x3FBB] =	sst s2  }
0x8f: {  	_ = 	snop  }
0x90: {  	s2 =	sld [smem:$0x3FD0];
	(tm) =	ssettm $0x1  }
0x91: {  	s18 =	sld [smem:$0x3FFB];
	_ =	sdelay $0x3  }
0x92: {  	_ =	strace s18  }
0x93: {  	s3 =	sld [smem:$0x3FFC];
	_ =	sdelay $0x3  }
0x94: {  	_ =	strace s3  }
0x95: {  	s3 =	sld [smem:$0x3FFD];
	_ =	sdelay $0x3  }
0x96: {  	_ =	strace s3  }
0x97: {  	_ =	strace $0x8FFFFFFF  }
0x98: {  	s19 =	sld [smem:$0x3FDB];
	_ =	sdelay $0x1  }
0x99: {  	s4 =	simm.s32 $_scs_section_size  }
0x9a: {  	s5 =	simm.s32 $_size__tile_overlayer_lowered;
	s6 =	simm.s32 $_tile_overlayer_lowered  }
0x9b: {  	s22 =	simm.s32 $0x1BFF;
	s21 =	sshll.u32 s6, $0x1;
	s3 =	sadd.s32 s4, s19  }
0x9c: {  	s7 =	simm.s32 $0x0;
	s20 =	sshll.u32 s5, $0x1;
	s5 =	sadd.s32 s21, s3  }
0x9d: {  	[timem:s7], [sflag:s22] =	dma.local [hbm:s5], s20  }
0x9e: {  	_ =	swait.ge [sflag:s22], s20  }
0x9f: {  	s4 =	ssub.s32 $0x0, s20;
	[sflag:s22] =	ssyncset.done $0x0  }
0xa0: {  	[sflag:s22] =	ssyncadd.s32 s4;
	_ =	sdelay $0x1  }
0xa1: {  	s23 =	simm.s32 $0x1B8B  }
0xa2: {  	_ =	swait.ge [sflag:s23], $0x1  }
0xa3: {  	[sflag:s23] =	ssyncset.done $0x0  }
0xa4: {  	s25 =	simm.s32 $0x1B8E;
	s24 =	sld [smem:$0x3FFE];
	[sflag:s23] =	ssyncadd.s32 $0xFFFFFFFF  }
0xa5: {  	s26 =	simm.s32 $execute0_lowered;
	[smem:$0x3FD2] =	sst s25  }
0xa6: {  	s5 =	sshll.u32 s26, $0x1;
	_ =	strace $0x80000046;
	[dreg:$0x1] =	wrdreg $0xFFFFFFFF  }
0xa7: {  	s28 =	simm.s32 $_size_execute0_lowered;
	s3 =	sadd.s32 s3, s5;
	[dreg:$0x0] =	wrdreg $0x0  }
0xa8: {  	s5 =	sshll.u32 s28, $0x1;
	[dreg:$0x2] =	wrdreg s3  }
0xa9: {  	[dreg:$0x3] =	wrdreg s5  }
0xaa: {  	[dreg:$0x4] =	wrdreg $0xC0  }
0xab: {  	_ =	task [dreg:s7], $0x5FFFF  }
0xac: {  	[dreg:$0x1] =	wrdreg $0xFFFFFFFF  }
0xad: {  	[dreg:$0x0] =	wrdreg $0x60  }
0xae: {  	[dreg:$0x2] =	wrdreg s24  }
0xaf: {  	[dreg:$0x3] =	wrdreg s2  }
0xb0: {  	[dreg:$0x4] =	wrdreg $0x7D000  }
0xb1: {  	[dreg:$0x5] =	wrdreg $0x9  }
0xb2: {  	_ =	task.clear_ibuf [dreg:s7], $0x6FFFF;
	_ =	strace $0x90000046  }
0xb3: {  	s29 =	simm.s32 $0x9;
	_ =	strace $0x80000048  }
0xb4: {  	_ =	swait.ge [sflag:s29], $0x1  }
0xb5: {  	[sflag:s29] =	ssyncadd.s32 $0xFFFFFFFF  }
0xb6: {  	_ =	strace $0x90000048  }
0xb7: {  	_ =	sfence  }
0xb8: {  	s30 =	sld [smem:$0x0];
	_ =	sdelay $0x2  }
0xb9: {  	s31 =	sshll.u32 s1, $0xD;
	s1 =	sshrl.u32 s1, $0x2  }
0xba: {  	s3 =	sand.u32 $0x4000, s31;
	s1 =	sadd.s32 s1, s30  }
0xbb: {  	s0 =	sor.u32 s3, s0;
	s1 =	sshll.u32 s1, $0x11  }
0xbc: {  	s0 =	sor.u32 s1, s0  }
0xbd: {  	s0 =	sadd.s32 $0x8F2B, s0  }
0xbe: {  	[sflag:s0] =	ssyncadd.remote.s32 $0x1  }
0xbf: {  	_ =	sfence.sel $0xFFFF  }
0xc0: {  	[dreg:$0x0] =	wrdreg $0xFFFFFFFF;
	(pc) =	sbr.abs _section_cstart, $3  }
0xc1: {  	[dreg:$0x1] =	wrdreg $0xFFFFFFFF  }
0xc2: {  	_ =	task.clear_ibuf [dreg:s7], $0x2FFFF;
	_ =	strace $0x9FFFFFFF  }
0xc3: {  	(tm) =	ssettm $0x7FFFFFFF  }
tec
execute0_lowered:
.L_overlay_start_1:
0x0: {  	(tag) =	ssettag $0x1  }
0x1: {  	s0 =	rddreg [dreg:$0x0]  }
0x2: {  	s1 =	rddreg [dreg:$0x1]  }
0x3: {  	s2 =	rddreg [dreg:$0x2]  }
0x4: {  	s3 =	srdreg.scid;
	s17 =	stileid.u32  }
0x5: {  	s4 =	simm.s32 $0x0;
	s8 =	sand.u32 $0x1, s3;
	s7 =	smul.u32 $0x280, s17  }
0x6: {  	[smem:$0x7FF] =	sst s4;
	s5 =	sadd.s32 $0x4ED800, s0;
	s10 =	smul.u32 $0x4E20, s17  }
0x7: {  	s6 =	sadd.s32 $0x589C00, s0;
	s3 =	smul.u32 $0x2710, s8;
	s11 =	ssub.s32 $0x2, s8  }
0x8: {  	_ =	strace $0x80000047;
	s8 =	smul.u32 $0x4E200, s8;
	s12 =	sshrl.u32 s11, $0x1  }
0x9: {  	s13 =	sshrl.u32 s10, $0x3;
	s16 =	sadd.s32 $0x28, s10;
	s9 =	sadd.s32 s7, s3  }
0xa: {  	s7 =	sadd.s32 $0x4E3A00, s0;
	s31 =	ssub.s32 s11, s12;
	s15 =	sadd.s32 s1, s13  }
0xb: {  	s11 =	sshrl.u32 s16, $0x3;
	s14 =	sadd.s32 s7, s13;
	[dreg:$0x5] =	wrdreg s15  }
0xc: {  	s8 =	sadd.s32 s10, s8;
	s19 =	sadd.s32 s7, s11;
	[dreg:$0x4] =	wrdreg s14  }
0xd: {  	s18 =	sshll.u32 s8, $0x4;
	s11 =	sadd.s32 s1, s11;
	[dreg:$0x6] =	wrdreg s19  }
0xe: {  	s9 =	sshll.u32 s9, $0x4;
	[dreg:$0x7] =	wrdreg s11;
	s20 =	sadd.s32 s6, s18  }
0xf: {  	s0 =	sadd.s32 s9, s0;
	s9 =	smax.u32 s31, $0x1;
	[dreg:$0x8] =	wrdreg s20  }
0x10: {  	[dreg:$0x9] =	wrdreg s9;
	s22 =	sadd.s32 $0x1A00, s0  }
0x11: {  	s23 =	sadd.s32 $0x1F00, s0;
	[dreg:$0xa] =	wrdreg s22  }
0x12: {  	s24 =	sadd.s32 $0x2400, s0;
	[dreg:$0xb] =	wrdreg s23  }
0x13: {  	s25 =	sadd.s32 $0x2900, s0;
	[dreg:$0xc] =	wrdreg s24  }
0x14: {  	s15 =	smul.u32 $0x50000, s17;
	s26 =	sadd.s32 $0x2E00, s0;
	[dreg:$0xd] =	wrdreg s25  }
0x15: {  	s29 =	sadd.s32 $0x3300, s0;
	[dreg:$0xe] =	wrdreg s26  }
0x16: {  	s21 =	sshrl.u32 s15, $0x2;
	s31 =	sadd.s32 $0x3800, s0;
	[dreg:$0xf] =	wrdreg s29  }
0x17: {  	s0 =	sadd.s32 $0x3D00, s0;
	s16 =	sadd.s32 s21, s2;
	[dreg:$0x10] =	wrdreg s31  }
0x18: {  	[dreg:$0x11] =	wrdreg s0;
	s12 =	sadd.s32 $0x1400, s16  }
0x19: {  	s15 =	sadd.s32 $0x2800, s16;
	[dreg:$0x12] =	wrdreg s12  }
0x1a: {  	s30 =	simm.s32 $0x2;
	s18 =	sadd.s32 $0x3C00, s16;
	[dreg:$0x13] =	wrdreg s15  }
0x1b: {  	s28 =	simm.s32 $0x0;
	s19 =	sadd.s32 $0x5000, s16;
	[dreg:$0x14] =	wrdreg s18  }
0x1c: {  	p0 =	seq.s32 s17, $0xF;
	s20 =	sadd.s32 $0x6400, s16;
	[dreg:$0x15] =	wrdreg s19  }
0x1d: {  	s13 =	sadd.s32 $0x28, s8;
	s21 =	sadd.s32 $0x7800, s16;
	[dreg:$0x16] =	wrdreg s20  }
0x1e: {  	s8 =	simm.s32 $0x380;
	s22 =	sadd.s32 $0x8C00, s16;
	[dreg:$0x17] =	wrdreg s21  }
0x1f: {  	s17 =	simm.s32 $0x3;
	s23 =	sadd.s32 $0xA000, s16;
	[dreg:$0x18] =	wrdreg s22  }
0x20: {  	s14 =	sadd.s32 $0x50, s10;
	s24 =	sadd.s32 $0xB400, s16;
	[dreg:$0x19] =	wrdreg s23  }
0x21: {  	s10 =	simm.s32 $0x5500;
	s25 =	sadd.s32 $0xC800, s16;
	[dreg:$0x1a] =	wrdreg s24  }
0x22: {  	s9 =	sadd.s32 $0x4E20, s3;
	s26 =	sadd.s32 $0xDC00, s16;
	[dreg:$0x1b] =	wrdreg s25  }
0x23: {  	s0 =	simm.s32 $0x300;
	s29 =	sadd.s32 $0x10400, s16;
	[dreg:$0x1c] =	wrdreg s26  }
.Ltmp0:
0x24: {  	s31 =	sadd.s32 $0x12C00, s16;
	[dreg:$0x1d] =	wrdreg s29;
	(pc) =	sbr.rel .LBB2_1-.Ltmp0, $4  }
0x25: {  	s11 =	sadd.s32 $0xF000, s16;
	s15 =	sadd.s32 $0x11800, s16;
	[dreg:$0x1e] =	wrdreg s31  }
0x26: {  	s18 =	simm.s32 $0x500;
	s19 =	simm.s32 $0x7;
	s20 =	simm.s32 $0x1  }
0x27: {  	s21 =	simm.s32 $0x28;
	s22 =	simm.s32 $0x4;
	s23 =	simm.s32 $0x480  }
0x28: {  	v2 =	vimm.f32 $0.0e+00;
	v0 =	vmov s3;
	v1 =	vmov s9;
	s24 =	simm.s32 $0x4100;
	s12 =	simm.s32 $0x6900;
	s25 =	simm.s32 $0x400  }
.LBB2_12:
0x29: {  	s3 =	simm.s32 $0x5  }
0x2a: {  	_ =	swait.ge [sflag:s3], $0x1400  }
0x2b: {  	[sflag:s3] =	ssyncset.done $0x0  }
0x2c: {  	s9 =	simm.s32 $0x6;
	[sflag:s3] =	ssyncadd.s32 $0xFFFFEC00  }
0x2d: {  	_ =	swait.ge [sflag:s9], $0x1400  }
0x2e: {  	[sflag:s9] =	ssyncset.done $0x0  }
0x2f: {  	s26 =	stileid.u32;
	[sflag:s9] =	ssyncadd.s32 $0xFFFFEC00  }
0x30: {  	s3 =	sshll.u32 s26, $0x6;
	[bflag:$0x0] =	sbarrier.arrive $0xFFFF  }
0x31: {  	s3 =	sor.u32 $0x1C07, s3;
	s9 =	sshrl.u32 s16, $0x3;
	s26 =	rddreg [dreg:$0xa]  }
0x32: {  	[hbm:s26], [sflag:s3] =	dma.local [spmem:s9], $0x500  }
0x33: {  	_ =	swait.ge [sflag:s19], $0x500  }
0x34: {  	[sflag:s19] =	ssyncset.done $0x0;
	s29 =	rddreg [dreg:$0x13]  }
0x35: {  	s31 =	rddreg [dreg:$0xb];
	[sflag:s19] =	ssyncadd.s32 $0xFFFFFB00;
	s9 =	sshrl.u32 s29, $0x3  }
0x36: {  	[hbm:s31], [sflag:s3] =	dma.local [spmem:s9], $0x500  }
0x37: {  	_ =	swait.ge [sflag:s19], $0x500  }
0x38: {  	[sflag:s19] =	ssyncset.done $0x0;
	s29 =	rddreg [dreg:$0x15]  }
0x39: {  	s31 =	rddreg [dreg:$0xc];
	[sflag:s19] =	ssyncadd.s32 $0xFFFFFB00;
	s9 =	sshrl.u32 s29, $0x3  }
0x3a: {  	[hbm:s31], [sflag:s3] =	dma.local [spmem:s9], $0x500  }
0x3b: {  	_ =	swait.ge [sflag:s19], $0x500  }
0x3c: {  	[sflag:s19] =	ssyncset.done $0x0;
	s29 =	rddreg [dreg:$0x17]  }
0x3d: {  	s31 =	rddreg [dreg:$0xd];
	[sflag:s19] =	ssyncadd.s32 $0xFFFFFB00;
	s9 =	sshrl.u32 s29, $0x3  }
0x3e: {  	[hbm:s31], [sflag:s3] =	dma.local [spmem:s9], $0x500  }
0x3f: {  	_ =	swait.ge [sflag:s19], $0x500  }
0x40: {  	[sflag:s19] =	ssyncset.done $0x0;
	s26 =	rddreg [dreg:$0x19]  }
0x41: {  	s29 =	rddreg [dreg:$0xe];
	[sflag:s19] =	ssyncadd.s32 $0xFFFFFB00;
	s9 =	sshrl.u32 s26, $0x3  }
0x42: {  	[hbm:s29], [sflag:s3] =	dma.local [spmem:s9], $0x500  }
0x43: {  	_ =	swait.ge [sflag:s19], $0x500  }
0x44: {  	[sflag:s19] =	ssyncset.done $0x0;
	s9 =	rddreg [dreg:$0x1b]  }
0x45: {  	s26 =	rddreg [dreg:$0xf];
	[sflag:s19] =	ssyncadd.s32 $0xFFFFFB00;
	s9 =	sshrl.u32 @!p0 s9, $0x3  }
0x46: {  	[hbm:s26], [sflag:s3] =	dma.local @!p0 [spmem:s9], $0x500  }
0x47: {  	s9 =	simm.s32 @!p0 $0x7  }
0x48: {  	_ =	swait.ge @!p0 [sflag:s9], $0x500  }
0x49: {  	[sflag:s9] =	ssyncset.done @!p0 $0x0  }
0x4a: {  	s26 =	sshrl.u32 @!p0 s11, $0x3;
	s29 =	rddreg [dreg:$0x10];
	[sflag:s9] =	ssyncadd.s32 @!p0 $0xFFFFFB00  }
0x4b: {  	[hbm:s29], [sflag:s3] =	dma.local @!p0 [spmem:s26], $0x500  }
0x4c: {  	_ =	swait.ge @!p0 [sflag:s9], $0x500  }
0x4d: {  	[sflag:s9] =	ssyncset.done @!p0 $0x0  }
0x4e: {  	s26 =	sshrl.u32 @!p0 s15, $0x3;
	s29 =	rddreg [dreg:$0x11];
	[sflag:s9] =	ssyncadd.s32 @!p0 $0xFFFFFB00  }
0x4f: {  	[hbm:s29], [sflag:s3] =	dma.local @!p0 [spmem:s26], $0x500  }
0x50: {  	_ =	swait.ge @!p0 [sflag:s9], $0x500  }
0x51: {  	s28 =	sadd.s32 $0x1, s28;
	s31 =	rddreg [dreg:$0x9]  }
0x52: {  	p1 =	sne.s32 s28, s31  }
.Ltmp1:
0x53: {  	_ = 	snop;
	(pc) =	sbr.rel @!p1 .LBB2_13-.Ltmp1, $3  }
0x54: {  	_ =	sdelay $0x1  }
0x55: {  	[sflag:s9] =	ssyncset.done @!p0 $0x0  }
0x56: {  	[sflag:s9] =	ssyncadd.s32 @!p0 $0xFFFFFB00  }
.LBB2_1:
0x57: {  	s3 =	rddreg [dreg:$0x4]  }
0x58: {  	[tilespmem:s4], [sflag:$0x1] =	stream.linear.gather [hbm4b:s3+s4], $0x28, $0x38;
	[tilespmem:$0x1BD00] =	vst v63  }
0x59: {  	s31 =	rddreg [dreg:$0x5];
	s9 =	simm.s32 $0x80  }
0x5a: {  	[tilespmem:s9], [sflag:$0x1] =	stream.linear.gather [hbm4b:s31+s4], $0x28, $0x38;
	[tilespmem:$0x1BD00] =	vst v63  }
0x5b: {  	s26 =	rddreg [dreg:$0x6];
	s31 =	simm.s32 $0x200  }
0x5c: {  	[tilespmem:s31], [sflag:$0x2] =	stream.linear.gather [hbm4b:s26+s4], $0x28, $0x38;
	[tilespmem:$0x1BD00] =	vst v63  }
0x5d: {  	s9 =	rddreg [dreg:$0x7];
	s26 =	simm.s32 $0x280;
	s31 =	sand.u32 $0x7E00, s4  }
0x5e: {  	[tilespmem:s26], [sflag:$0x2] =	stream.linear.gather [hbm4b:s9+s4], $0x28, $0x38;
	[tilespmem:$0x1BD00] =	vst v63  }
0x5f: {  	s29 =	sshrl.u32 s31, $0x2;
	s26 =	sand.u32 $0x70, s4  }
0x60: {  	s3 =	simm.s32 $0x40;
	s29 =	sor.u32 s26, s29;
	s26 =	simm.s32 $0x0  }
.LBB2_2:
0x61: {  	p1 =	sne.s32 s3, $0x4FC0  }
0x62: {  	[tilespmem:s29+$0x500] =	vst v2;
	s26 =	sadd.s32 $0x10, s26;
	s29 =	smov.u32 s3;
	s3 =	sadd.s32 $0x40, s3  }
.Ltmp2:
0x63: {  	(pc) =	sbr.rel @p1 .LBB2_2-.Ltmp2, $4  }
0x64: {  	_ = 	snop  }
0x65: {  	s29 =	sand.u32 $0x7E00, s29  }
0x66: {  	s31 =	sand.u32 $0x70, s26;
	s29 =	sshrl.u32 s29, $0x2  }
0x67: {  	s29 =	sor.u32 s31, s29  }
0x68: {  	[tilespmem:s29+$0x500] =	vst v2  }
0x69: {  	[spmem:s16] =	stream.linear.scatter [tilespmem:s18], [sflag:$0x7], $0x1400, $0x38;
	[tilespmem:$0x1BD00] =	vst v63  }
0x6a: {  	_ =	swait.ge [sflag:s19], $0x1400  }
0x6b: {  	[sflag:s19] =	ssyncset.done $0x0  }
0x6c: {  	s3 =	rddreg [dreg:$0x12];
	[sflag:s19] =	ssyncadd.s32 $0xFFFFEC00  }
0x6d: {  	[spmem:s3] =	stream.linear.scatter [tilespmem:s18], [sflag:$0x7], $0x1400, $0x38;
	[tilespmem:$0x1BD00] =	vst v63  }
0x6e: {  	_ =	swait.ge [sflag:s19], $0x1400  }
0x6f: {  	[sflag:s19] =	ssyncset.done $0x0  }
0x70: {  	s9 =	rddreg [dreg:$0x13];
	[sflag:s19] =	ssyncadd.s32 $0xFFFFEC00  }
0x71: {  	[spmem:s9] =	stream.linear.scatter [tilespmem:s18], [sflag:$0x7], $0x1400, $0x38;
	[tilespmem:$0x1BD00] =	vst v63  }
0x72: {  	_ =	swait.ge [sflag:s19], $0x1400  }
0x73: {  	[sflag:s19] =	ssyncset.done $0x0  }
0x74: {  	s26 =	rddreg [dreg:$0x14];
	[sflag:s19] =	ssyncadd.s32 $0xFFFFEC00  }
0x75: {  	[spmem:s26] =	stream.linear.scatter [tilespmem:s18], [sflag:$0x7], $0x1400, $0x38;
	[tilespmem:$0x1BD00] =	vst v63  }
0x76: {  	_ =	swait.ge [sflag:s19], $0x1400  }
0x77: {  	[sflag:s19] =	ssyncset.done $0x0  }
0x78: {  	s29 =	rddreg [dreg:$0x15];
	[sflag:s19] =	ssyncadd.s32 $0xFFFFEC00  }
0x79: {  	[spmem:s29] =	stream.linear.scatter [tilespmem:s18], [sflag:$0x7], $0x1400, $0x38;
	[tilespmem:$0x1BD00] =	vst v63  }
0x7a: {  	_ =	swait.ge [sflag:s19], $0x1400  }
0x7b: {  	[sflag:s19] =	ssyncset.done $0x0  }
0x7c: {  	s31 =	rddreg [dreg:$0x16];
	[sflag:s19] =	ssyncadd.s32 $0xFFFFEC00  }
0x7d: {  	[spmem:s31] =	stream.linear.scatter [tilespmem:s18], [sflag:$0x7], $0x1400, $0x38;
	[tilespmem:$0x1BD00] =	vst v63  }
0x7e: {  	_ =	swait.ge [sflag:s19], $0x1400  }
0x7f: {  	[sflag:s19] =	ssyncset.done $0x0  }
0x80: {  	s9 =	rddreg [dreg:$0x17];
	[sflag:s19] =	ssyncadd.s32 $0xFFFFEC00  }
0x81: {  	[spmem:s9] =	stream.linear.scatter [tilespmem:s18], [sflag:$0x7], $0x1400, $0x38;
	[tilespmem:$0x1BD00] =	vst v63  }
0x82: {  	_ =	swait.ge [sflag:s19], $0x1400  }
0x83: {  	[sflag:s19] =	ssyncset.done $0x0  }
0x84: {  	s26 =	rddreg [dreg:$0x18];
	[sflag:s19] =	ssyncadd.s32 $0xFFFFEC00  }
0x85: {  	[spmem:s26] =	stream.linear.scatter [tilespmem:s18], [sflag:$0x7], $0x1400, $0x38;
	[tilespmem:$0x1BD00] =	vst v63  }
0x86: {  	_ =	swait.ge [sflag:s19], $0x1400  }
0x87: {  	[sflag:s19] =	ssyncset.done $0x0  }
0x88: {  	s29 =	rddreg [dreg:$0x19];
	[sflag:s19] =	ssyncadd.s32 $0xFFFFEC00  }
0x89: {  	[spmem:s29] =	stream.linear.scatter [tilespmem:s18], [sflag:$0x7], $0x1400, $0x38;
	[tilespmem:$0x1BD00] =	vst v63  }
0x8a: {  	_ =	swait.ge [sflag:s19], $0x1400  }
0x8b: {  	[sflag:s19] =	ssyncset.done $0x0  }
0x8c: {  	s31 =	rddreg [dreg:$0x1a];
	[sflag:s19] =	ssyncadd.s32 $0xFFFFEC00  }
0x8d: {  	[spmem:s31] =	stream.linear.scatter [tilespmem:s18], [sflag:$0x7], $0x1400, $0x38;
	[tilespmem:$0x1BD00] =	vst v63  }
0x8e: {  	_ =	swait.ge [sflag:s19], $0x1400  }
0x8f: {  	[sflag:s19] =	ssyncset.done $0x0  }
0x90: {  	s9 =	rddreg [dreg:$0x1b];
	[sflag:s19] =	ssyncadd.s32 $0xFFFFEC00  }
0x91: {  	[spmem:s9] =	stream.linear.scatter [tilespmem:s18], [sflag:$0x7], $0x1400, $0x38;
	[tilespmem:$0x1BD00] =	vst v63  }
0x92: {  	_ =	swait.ge [sflag:s19], $0x1400  }
0x93: {  	[sflag:s19] =	ssyncset.done $0x0  }
0x94: {  	s26 =	rddreg [dreg:$0x1c];
	[sflag:s19] =	ssyncadd.s32 $0xFFFFEC00  }
0x95: {  	[spmem:s26] =	stream.linear.scatter [tilespmem:s18], [sflag:$0x7], $0x1400, $0x38;
	[tilespmem:$0x1BD00] =	vst v63  }
0x96: {  	_ =	swait.ge [sflag:s19], $0x1400  }
0x97: {  	[sflag:s19] =	ssyncset.done $0x0  }
0x98: {  	[sflag:s19] =	ssyncadd.s32 $0xFFFFEC00  }
0x99: {  	[spmem:s11] =	stream.linear.scatter [tilespmem:s18], [sflag:$0x7], $0x1400, $0x38;
	[tilespmem:$0x1BD00] =	vst v63  }
0x9a: {  	_ =	swait.ge [sflag:s19], $0x1400  }
0x9b: {  	[sflag:s19] =	ssyncset.done $0x0  }
0x9c: {  	s29 =	rddreg [dreg:$0x1d];
	[sflag:s19] =	ssyncadd.s32 $0xFFFFEC00  }
0x9d: {  	[spmem:s29] =	stream.linear.scatter [tilespmem:s18], [sflag:$0x7], $0x1400, $0x38;
	[tilespmem:$0x1BD00] =	vst v63  }
0x9e: {  	_ =	swait.ge [sflag:s19], $0x1400  }
0x9f: {  	[sflag:s19] =	ssyncset.done $0x0  }
0xa0: {  	[sflag:s19] =	ssyncadd.s32 $0xFFFFEC00  }
0xa1: {  	[spmem:s15] =	stream.linear.scatter [tilespmem:s18], [sflag:$0x7], $0x1400, $0x38;
	[tilespmem:$0x1BD00] =	vst v63  }
0xa2: {  	_ =	swait.ge [sflag:s19], $0x1400  }
0xa3: {  	[sflag:s19] =	ssyncset.done $0x0  }
0xa4: {  	s31 =	rddreg [dreg:$0x1e];
	[sflag:s19] =	ssyncadd.s32 $0xFFFFEC00  }
0xa5: {  	[spmem:s31] =	stream.linear.scatter [tilespmem:s18], [sflag:$0x7], $0x1400, $0x38;
	[tilespmem:$0x1BD00] =	vst v63  }
0xa6: {  	_ =	swait.ge [sflag:s19], $0x1400  }
0xa7: {  	[sflag:s19] =	ssyncset.done $0x0  }
0xa8: {  	[sflag:s19] =	ssyncadd.s32 $0xFFFFEC00  }
0xa9: {  	_ =	swait.ge [sflag:s20], $0x28  }
0xaa: {  	[sflag:s20] =	ssyncset.done $0x0  }
0xab: {  	[sflag:s20] =	ssyncadd.s32 $0xFFFFFFD8  }
0xac: {  	_ =	swait.ge [sflag:s20], $0x28  }
0xad: {  	[sflag:s20] =	ssyncset.done $0x0  }
0xae: {  	[sflag:s20] =	ssyncadd.s32 $0xFFFFFFD8  }
0xaf: {  	v3 =	vld [tilespmem:$0x0]  }
0xb0: {  	v5 =	vld [tilespmem:$0x80]  }
0xb1: {  	v4 =	vld [tilespmem:$0x80]  }
0xb2: {  	v6 =	vld [tilespmem:$0x10]  }
0xb3: {  	v8 =	vld [tilespmem:$0x90]  }
0xb4: {  	v7 =	vld [tilespmem:$0x90]  }
0xb5: {  	v60 =	vld [tilespmem:$0x18];
	v3 =	vadd.s32 v0, v3;
	[tilespmem:$0x400] =	vst v5  }
0xb6: {  	v63 =	vld [tilespmem:$0x98];
	[tilespmem:$0x100] =	vst v3;
	v3 =	vadd.s32 v1, v4  }
0xb7: {  	[tilespmem:$0x180] =	vst v3;
	v3 =	vld [tilespmem:$0x98]  }
0xb8: {  	v61 =	vadd.s32 v0, v6;
	[tilespmem:$0x410] =	vst v8  }
0xb9: {  	v62 =	vadd.s32 v1, v7;
	[tilespmem:$0x110] =	vst v61  }
0xba: {  	[tilespmem:$0x190] =	vst v62  }
0xbb: {  	v4 =	vadd.s32 v0, v60;
	[tilespmem:$0x418] =	vst v63  }
0xbc: {  	[tilespmem:$0x118] =	vst v4;
	v3 =	vadd.s32 v1, v3  }
0xbd: {  	s9 =	simm.s32 $0x100;
	[tilespmem:$0x198] =	vst v3  }
0xbe: {  	[tilespmem:s18], [sflag:$0x3] =	stream.indirect.gather [hbm4b:s5+s21], $0x80, s9, s21, $0xb8;
	[tilespmem:$0x1BD00] =	vst v63  }
0xbf: {  	s26 =	simm.s32 $0x180;
	s9 =	simm.s32 $0x1900  }
0xc0: {  	[tilespmem:s9], [sflag:$0x3] =	stream.indirect.gather [hbm4b:s5+s21], $0x80, s26, s21, $0xb8;
	[tilespmem:$0x1BD00] =	vst v63  }
.Ltmp3:
0xc1: {  	_ = 	snop;
	(pc) =	sbr.rel .LBB2_4-.Ltmp3, $3  }
0xc2: {  	s31 =	simm.s32 $0x2D00;
	s29 =	rddreg [dreg:$0x8];
	s26 =	simm.s32 $0x0  }
0xc3: {  	[tilespmem:s31], [sflag:$0x3] =	stream.linear.gather [hbm4b:s29+s26], $0x1400, $0x38;
	[tilespmem:$0x1BD00] =	vst v63  }
0xc4: {  	[bflag:$0x0] =	sbarrier.arrive $0xFFFF;
	_ =	sdelay $0x1  }
.LBB2_7:
0xc5: {  	v7 =	vadd.f32 v7, v21;
	v14 =	vadd.f32 v14, v19;
	v55 =	vld [tilespmem:s31+$0x570]  }
0xc6: {  	v8 =	vadd.f32 v8, v20;
	v13 =	vadd.f32 v13, v18;
	v56 =	vld [tilespmem:s31+$0x2D60]  }
0xc7: {  	v12 =	vadd.f32 v12, v17;
	v57 =	vld [tilespmem:s31+$0x2D70];
	v7 =	vmax.f32 v7, $0.0e+00;
	v6 =	vadd.f32 v6, v14  }
0xc8: {  	v59 =	vadd.f32 v11, v16;
	v58 =	vmax.f32 v8, $0.0e+00;
	v5 =	vadd.f32 v5, v13;
	[tilespmem:s31+$0x500] =	vst v7  }
0xc9: {  	v60 =	vadd.f32 v10, v15;
	v4 =	vadd.f32 v4, v12;
	[tilespmem:s31+$0x510] =	vst v58;
	v6 =	vmax.f32 v6, $0.0e+00  }
0xca: {  	v3 =	vadd.f32 v3, v59;
	v5 =	vmax.f32 v5, $0.0e+00;
	[tilespmem:s31+$0x520] =	vst v6;
	v61 =	vadd.f32 v9, v55  }
0xcb: {  	v4 =	vmax.f32 v4, $0.0e+00;
	[tilespmem:s31+$0x530] =	vst v5;
	v62 =	vadd.f32 v56, v60  }
0xcc: {  	v3 =	vmax.f32 v3, $0.0e+00;
	[tilespmem:s31+$0x540] =	vst v4;
	v63 =	vadd.f32 v57, v61  }
0xcd: {  	p1 =	sgt.u32 s26, $0x1F1;
	[tilespmem:s31+$0x550] =	vst v3;
	v3 =	vmax.f32 v62, $0.0e+00  }
0xce: {  	s3 =	sadd.s32 @!p1 s29, s14;
	[tilespmem:s31+$0x560] =	vst v3;
	v3 =	vmax.f32 v63, $0.0e+00  }
0xcf: {  	s3 =	sshrl.u32 @!p1 s3, $0x3;
	[tilespmem:s31+$0x570] =	vst v3  }
0xd0: {  	[spmem:s2] =	stream.indirect.scatter.add.f32 [tilespmem:s18], [sflag:$0x5], $0x80, s25, s21, $0xb8;
	[tilespmem:$0x1BD00] =	vst v63  }
0xd1: {  	s29 =	simm.s32 @!p1 $0x0;
	s9 =	sadd.s32 @!p1 s7, s3  }
0xd2: {  	[tilespmem:s29], [sflag:$0x1] =	stream.linear.gather @!p1 [hbm4b:s9+s29], $0x28, $0x38;
	[tilespmem:$0x1BD00] =	vst v63  }
0xd3: {  	s3 =	sadd.s32 @!p1 s1, s3;
	s9 =	simm.s32 @!p1 $0x80  }
0xd4: {  	[tilespmem:s9], [sflag:$0x1] =	stream.linear.gather @!p1 [hbm4b:s3+s29], $0x28, $0x38;
	[tilespmem:$0x1BD00] =	vst v63  }
.LBB2_11:
0xd5: {  	s26 =	sadd.s32 $0x1, s26  }
0xd6: {  	p1 =	sne.s32 s26, $0x1F4  }
.Ltmp4:
0xd7: {  	_ = 	snop;
	(pc) =	sbr.rel @!p1 .LBB2_12-.Ltmp4, $1  }
0xd8: {  	_ =	sdelay $0x3  }
.LBB2_4:
0xd9: {  	s3 =	sand.u32 $0x1, s26  }
0xda: {  	p1 =	seq.s32 s3, $0x1  }
.Ltmp5:
0xdb: {  	_ = 	snop;
	(pc) =	sbr.rel @!p1 .LBB2_5-.Ltmp5, $1  }
0xdc: {  	_ =	sdelay $0x3  }
0xdd: {  	p1 =	seq.s32 s26, $0x1F3  }
0xde: {  	s3 =	simm.s32 @!p1 $0x1  }
0xdf: {  	_ =	swait.ge @!p1 [sflag:s3], $0x28  }
0xe0: {  	[sflag:s3] =	ssyncset.done @!p1 $0x0  }
0xe1: {  	[sflag:s3] =	ssyncadd.s32 @!p1 $0xFFFFFFD8  }
0xe2: {  	_ =	swait.ge @!p1 [sflag:s3], $0x28  }
0xe3: {  	[sflag:s3] =	ssyncset.done @!p1 $0x0  }
0xe4: {  	[sflag:s3] =	ssyncadd.s32 @!p1 $0xFFFFFFD8;
	s3 =	simm.s32 @!p1 $0x5  }
0xe5: {  	_ =	swait.ge @!p1 [sflag:s3], $0x1400  }
0xe6: {  	[sflag:s3] =	ssyncset.done @!p1 $0x0  }
0xe7: {  	[sflag:s3] =	ssyncadd.s32 @!p1 $0xFFFFEC00  }
0xe8: {  	v3 =	vld @!p1 [tilespmem:$0x0]  }
0xe9: {  	v5 =	vld @!p1 [tilespmem:$0x80]  }
0xea: {  	v6 =	vld @!p1 [tilespmem:$0x10]  }
0xeb: {  	v4 =	vld @!p1 [tilespmem:$0x80];
	_ =	sdelay $0x1  }
0xec: {  	v8 =	vld @!p1 [tilespmem:$0x90]  }
0xed: {  	v7 =	vld @!p1 [tilespmem:$0x90]  }
0xee: {  	v3 =	vadd.s32 @!p1 v0, v3;
	[tilespmem:$0x400] =	vst @!p1 v5;
	v5 =	vadd.s32 @!p1 v0, v6;
	v6 =	vld @!p1 [tilespmem:$0x98]  }
0xef: {  	[tilespmem:$0x100] =	vst @!p1 v3;
	v3 =	vadd.s32 @!p1 v1, v4;
	v4 =	vld @!p1 [tilespmem:$0x18]  }
0xf0: {  	[tilespmem:$0x180] =	vst @!p1 v3;
	v3 =	vld @!p1 [tilespmem:$0x98]  }
0xf1: {  	[tilespmem:$0x410] =	vst @!p1 v8  }
0xf2: {  	[tilespmem:$0x110] =	vst @!p1 v5;
	v5 =	vadd.s32 @!p1 v1, v7  }
0xf3: {  	[tilespmem:$0x190] =	vst @!p1 v5  }
0xf4: {  	[tilespmem:$0x418] =	vst @!p1 v6;
	v4 =	vadd.s32 @!p1 v0, v4  }
0xf5: {  	[tilespmem:$0x118] =	vst @!p1 v4;
	v3 =	vadd.s32 @!p1 v1, v3  }
0xf6: {  	s9 =	simm.s32 @!p1 $0x100;
	s29 =	simm.s32 @!p1 $0x500;
	s3 =	simm.s32 @!p1 $0x28;
	[tilespmem:$0x198] =	vst @!p1 v3  }
0xf7: {  	[tilespmem:s29], [sflag:$0x3] =	stream.indirect.gather @!p1 [hbm4b:s5+s3], $0x80, s9, s3, $0xb8;
	[tilespmem:$0x1BD00] =	vst v63  }
0xf8: {  	s31 =	smul.u32 @!p1 $0x28, s26;
	s9 =	simm.s32 @!p1 $0x180;
	s29 =	simm.s32 @!p1 $0x1900  }
0xf9: {  	[tilespmem:s29], [sflag:$0x3] =	stream.indirect.gather @!p1 [hbm4b:s5+s3], $0x80, s9, s3, $0xb8;
	[tilespmem:$0x1BD00] =	vst v63  }
0xfa: {  	s3 =	sadd.s32 @!p1 s31, s13  }
0xfb: {  	s3 =	sshll.u32 @!p1 s3, $0x4  }
0xfc: {  	s9 =	simm.s32 @!p1 $0x0;
	s29 =	simm.s32 @!p1 $0x2D00;
	s3 =	sadd.s32 @!p1 s6, s3  }
0xfd: {  	[tilespmem:s29], [sflag:$0x3] =	stream.linear.gather @!p1 [hbm4b:s3+s9], $0x1400, $0x38;
	[tilespmem:$0x1BD00] =	vst v63  }
0xfe: {  	_ =	swait.ge [sflag:s22], $0x1400  }
0xff: {  	[sflag:s22] =	ssyncset.done $0x0  }
0x100: {  	[sflag:s22] =	ssyncadd.s32 $0xFFFFEC00  }
0x101: {  	_ =	swait.ge [sflag:s22], $0x1400  }
0x102: {  	[sflag:s22] =	ssyncset.done $0x0  }
0x103: {  	[sflag:s22] =	ssyncadd.s32 $0xFFFFEC00  }
0x104: {  	_ =	swait.ge [sflag:s22], $0x1400  }
0x105: {  	[sflag:s22] =	ssyncset.done $0x0  }
0x106: {  	s29 =	simm.s32 $0x0;
	[sflag:s22] =	ssyncadd.s32 $0xFFFFEC00  }
0x107: {  	v7 =	vld [tilespmem:s29+$0x6900]  }
0x108: {  	v8 =	vld [tilespmem:s29+$0x6910]  }
0x109: {  	v6 =	vld [tilespmem:s29+$0x6920]  }
0x10a: {  	v5 =	vld [tilespmem:s29+$0x6930]  }
0x10b: {  	v4 =	vld [tilespmem:s29+$0x6940]  }
0x10c: {  	v3 =	vld [tilespmem:s29+$0x6950]  }
0x10d: {  	v15 =	vld [tilespmem:s29+$0x5500]  }
0x10e: {  	v20 =	vld [tilespmem:s29+$0x5510]  }
0x10f: {  	v14 =	vld [tilespmem:s29+$0x5520]  }
0x110: {  	v13 =	vld [tilespmem:s29+$0x5530]  }
0x111: {  	v12 =	vld [tilespmem:s29+$0x5540]  }
0x112: {  	v11 =	vld [tilespmem:s29+$0x5550]  }
0x113: {  	v10 =	vld [tilespmem:s29+$0x5560]  }
0x114: {  	v9 =	vld [tilespmem:s29+$0x5570]  }
0x115: {  	v21 =	vld [tilespmem:s29+$0x4100]  }
0x116: {  	v22 =	vld [tilespmem:s29+$0x4110]  }
0x117: {  	v19 =	vld [tilespmem:s29+$0x4120]  }
0x118: {  	v18 =	vld [tilespmem:s29+$0x4130]  }
0x119: {  	v17 =	vld [tilespmem:s29+$0x4140]  }
0x11a: {  	v16 =	vld [tilespmem:s29+$0x4150];
	v21 =	vadd.f32 v15, v21  }
0x11b: {  	s3 =	simm.s32 $0x200;
	v20 =	vadd.f32 v20, v22;
	v15 =	vld [tilespmem:s29+$0x4160]  }
.LBB2_9:
0x11c: {  	p1 =	sne.s32 s3, $0x4E00;
	v7 =	vadd.f32 v7, v21;
	v14 =	vadd.f32 v14, v19;
	v19 =	vld [tilespmem:s29+$0x4170]  }
0x11d: {  	v8 =	vadd.f32 v8, v20;
	v13 =	vadd.f32 v13, v18;
	v18 =	vld [tilespmem:s29+$0x6960]  }
0x11e: {  	s9 =	sshra.s32 s3, $0x2;
	v20 =	vmax.f32 v7, $0.0e+00;
	v6 =	vadd.f32 v6, v14;
	v12 =	vadd.f32 v12, v17;
	v14 =	vld [tilespmem:s29+$0x6970]  }
0x11f: {  	v7 =	vld [tilespmem:s9+$0x6900];
	[tilespmem:s29+$0x4100] =	vst v20;
	v17 =	vmax.f32 v8, $0.0e+00;
	v5 =	vadd.f32 v5, v13;
	v11 =	vadd.f32 v11, v16  }
0x120: {  	v8 =	vld [tilespmem:s9+$0x6910];
	[tilespmem:s29+$0x4110] =	vst v17;
	v13 =	vmax.f32 v6, $0.0e+00;
	v4 =	vadd.f32 v4, v12;
	v10 =	vadd.f32 v10, v15  }
0x121: {  	v6 =	vld [tilespmem:s9+$0x6920];
	[tilespmem:s29+$0x4120] =	vst v13;
	v12 =	vmax.f32 v5, $0.0e+00;
	v3 =	vadd.f32 v3, v11;
	v9 =	vadd.f32 v9, v19  }
0x122: {  	v5 =	vld [tilespmem:s9+$0x6930];
	[tilespmem:s29+$0x4130] =	vst v12;
	v11 =	vmax.f32 v4, $0.0e+00;
	v10 =	vadd.f32 v18, v10  }
0x123: {  	v4 =	vld [tilespmem:s9+$0x6940];
	[tilespmem:s29+$0x4140] =	vst v11;
	v11 =	vmax.f32 v3, $0.0e+00;
	v9 =	vadd.f32 v14, v9  }
0x124: {  	v3 =	vld [tilespmem:s9+$0x6950];
	[tilespmem:s29+$0x4150] =	vst v11;
	v10 =	vmax.f32 v10, $0.0e+00  }
0x125: {  	v15 =	vld [tilespmem:s9+$0x5500];
	[tilespmem:s29+$0x4160] =	vst v10;
	v9 =	vmax.f32 v9, $0.0e+00  }
0x126: {  	v20 =	vld [tilespmem:s9+$0x5510];
	[tilespmem:s29+$0x4170] =	vst v9;
	s29 =	smov.u32 s9  }
0x127: {  	v14 =	vld [tilespmem:s29+$0x5520]  }
0x128: {  	v13 =	vld [tilespmem:s29+$0x5530]  }
0x129: {  	v12 =	vld [tilespmem:s29+$0x5540]  }
0x12a: {  	v11 =	vld [tilespmem:s29+$0x5550]  }
0x12b: {  	v10 =	vld [tilespmem:s29+$0x5560]  }
0x12c: {  	v9 =	vld [tilespmem:s29+$0x5570]  }
0x12d: {  	v16 =	vld [tilespmem:s29+$0x4100]  }
0x12e: {  	v22 =	vld [tilespmem:s29+$0x4110]  }
.Ltmp6:
0x12f: {  	v19 =	vld [tilespmem:s29+$0x4120];
	(pc) =	sbr.rel @p1 .LBB2_9-.Ltmp6, $4  }
0x130: {  	v18 =	vld [tilespmem:s29+$0x4130]  }
0x131: {  	v17 =	vld [tilespmem:s29+$0x4140]  }
0x132: {  	v21 =	vadd.f32 v15, v16;
	v16 =	vld [tilespmem:s29+$0x4150]  }
0x133: {  	s3 =	sadd.s32 $0x200, s3;
	v20 =	vadd.f32 v20, v22;
	v15 =	vld [tilespmem:s29+$0x4160]  }
0x134: {  	v7 =	vadd.f32 v7, v21;
	v14 =	vadd.f32 v14, v19;
	v55 =	vld [tilespmem:s29+$0x4170]  }
0x135: {  	v56 =	vld [tilespmem:s29+$0x6960];
	v8 =	vadd.f32 v8, v20;
	v13 =	vadd.f32 v13, v18  }
0x136: {  	v57 =	vld [tilespmem:s29+$0x6970];
	v7 =	vmax.f32 v7, $0.0e+00;
	v6 =	vadd.f32 v6, v14;
	v12 =	vadd.f32 v12, v17  }
0x137: {  	[tilespmem:s29+$0x4100] =	vst v7;
	v58 =	vmax.f32 v8, $0.0e+00;
	v5 =	vadd.f32 v5, v13;
	v59 =	vadd.f32 v11, v16  }
0x138: {  	[tilespmem:s29+$0x4110] =	vst v58;
	v6 =	vmax.f32 v6, $0.0e+00;
	v4 =	vadd.f32 v4, v12;
	v60 =	vadd.f32 v10, v15  }
0x139: {  	[tilespmem:s29+$0x4120] =	vst v6;
	v5 =	vmax.f32 v5, $0.0e+00;
	v3 =	vadd.f32 v3, v59;
	v61 =	vadd.f32 v9, v55  }
0x13a: {  	[tilespmem:s29+$0x4130] =	vst v5;
	v4 =	vmax.f32 v4, $0.0e+00;
	v62 =	vadd.f32 v56, v60  }
0x13b: {  	p1 =	sgt.u32 s26, $0x1F1;
	[tilespmem:s29+$0x4140] =	vst v4;
	v3 =	vmax.f32 v3, $0.0e+00;
	v63 =	vadd.f32 v57, v61  }
0x13c: {  	s3 =	smul.u32 @!p1 $0x28, s26;
	[tilespmem:s29+$0x4150] =	vst v3;
	v3 =	vmax.f32 v62, $0.0e+00  }
0x13d: {  	[tilespmem:s29+$0x4160] =	vst v3;
	v3 =	vmax.f32 v63, $0.0e+00  }
0x13e: {  	s3 =	sadd.s32 @!p1 s3, s14;
	[tilespmem:s29+$0x4170] =	vst v3  }
0x13f: {  	[spmem:s2] =	stream.indirect.scatter.add.f32 [tilespmem:s24], [sflag:$0x6], $0x80, s23, s21, $0xb8;
	[tilespmem:$0x1BD00] =	vst v63  }
.Ltmp7:
0x140: {  	s3 =	sshrl.u32 @!p1 s3, $0x3;
	(pc) =	sbr.rel .LBB2_11-.Ltmp7, $4  }
0x141: {  	s31 =	simm.s32 @!p1 $0x200;
	s9 =	sadd.s32 @!p1 s7, s3;
	s29 =	simm.s32 @!p1 $0x0  }
0x142: {  	[tilespmem:s31], [sflag:$0x2] =	stream.linear.gather @!p1 [hbm4b:s9+s29], $0x28, $0x38;
	[tilespmem:$0x1BD00] =	vst v63  }
0x143: {  	s3 =	sadd.s32 @!p1 s1, s3;
	s9 =	simm.s32 @!p1 $0x280  }
0x144: {  	[tilespmem:s9], [sflag:$0x2] =	stream.linear.gather @!p1 [hbm4b:s3+s29], $0x28, $0x38;
	[tilespmem:$0x1BD00] =	vst v63  }
.LBB2_5:
0x145: {  	_ =	swait.ge [sflag:s30], $0x28  }
0x146: {  	[sflag:s30] =	ssyncset.done $0x0  }
0x147: {  	[sflag:s30] =	ssyncadd.s32 $0xFFFFFFD8  }
0x148: {  	_ =	swait.ge [sflag:s30], $0x28  }
0x149: {  	p1 =	seq.s32 s26, $0x0;
	[sflag:s30] =	ssyncset.done $0x0  }
0x14a: {  	s3 =	simm.s32 @!p1 $0x6;
	[sflag:s30] =	ssyncadd.s32 $0xFFFFFFD8  }
0x14b: {  	_ =	swait.ge @!p1 [sflag:s3], $0x1400  }
0x14c: {  	[sflag:s3] =	ssyncset.done @!p1 $0x0  }
0x14d: {  	[sflag:s3] =	ssyncadd.s32 @!p1 $0xFFFFEC00  }
0x14e: {  	v3 =	vld [tilespmem:$0x200]  }
0x14f: {  	v5 =	vld [tilespmem:$0x280]  }
0x150: {  	v6 =	vld [tilespmem:$0x210]  }
0x151: {  	v4 =	vld [tilespmem:$0x280];
	_ =	sdelay $0x1  }
0x152: {  	v8 =	vld [tilespmem:$0x290]  }
0x153: {  	v7 =	vld [tilespmem:$0x290]  }
0x154: {  	v3 =	vadd.s32 v0, v3;
	[tilespmem:$0x480] =	vst v5;
	v5 =	vadd.s32 v0, v6;
	v6 =	vld [tilespmem:$0x298]  }
0x155: {  	[tilespmem:$0x300] =	vst v3;
	v3 =	vadd.s32 v1, v4;
	v4 =	vld [tilespmem:$0x218]  }
0x156: {  	[tilespmem:$0x380] =	vst v3;
	v3 =	vld [tilespmem:$0x298]  }
0x157: {  	[tilespmem:$0x490] =	vst v8  }
0x158: {  	[tilespmem:$0x310] =	vst v5;
	v5 =	vadd.s32 v1, v7  }
0x159: {  	[tilespmem:$0x390] =	vst v5  }
0x15a: {  	s29 =	smul.u32 $0x28, s26;
	[tilespmem:$0x498] =	vst v6;
	v4 =	vadd.s32 v0, v4  }
0x15b: {  	[tilespmem:$0x318] =	vst v4;
	v3 =	vadd.s32 v1, v3  }
0x15c: {  	s9 =	sadd.s32 s29, s13;
	[tilespmem:$0x398] =	vst v3  }
0x15d: {  	[tilespmem:s24], [sflag:$0x4] =	stream.indirect.gather [hbm4b:s5+s21], $0x80, s0, s21, $0xb8;
	[tilespmem:$0x1BD00] =	vst v63  }
0x15e: {  	s3 =	sshll.u32 s9, $0x4  }
0x15f: {  	[tilespmem:s10], [sflag:$0x4] =	stream.indirect.gather [hbm4b:s5+s21], $0x80, s8, s21, $0xb8;
	[tilespmem:$0x1BD00] =	vst v63  }
0x160: {  	s31 =	simm.s32 $0x0;
	s3 =	sadd.s32 s6, s3  }
0x161: {  	[tilespmem:s12], [sflag:$0x4] =	stream.linear.gather [hbm4b:s3+s31], $0x1400, $0x38;
	[tilespmem:$0x1BD00] =	vst v63  }
0x162: {  	_ =	swait.ge [sflag:s17], $0x1400  }
0x163: {  	[sflag:s17] =	ssyncset.done $0x0  }
0x164: {  	[sflag:s17] =	ssyncadd.s32 $0xFFFFEC00  }
0x165: {  	_ =	swait.ge [sflag:s17], $0x1400  }
0x166: {  	[sflag:s17] =	ssyncset.done $0x0  }
0x167: {  	[sflag:s17] =	ssyncadd.s32 $0xFFFFEC00  }
0x168: {  	_ =	swait.ge [sflag:s17], $0x1400  }
0x169: {  	[sflag:s17] =	ssyncset.done $0x0  }
0x16a: {  	s31 =	simm.s32 $0x0;
	[sflag:s17] =	ssyncadd.s32 $0xFFFFEC00  }
0x16b: {  	v7 =	vld [tilespmem:s31+$0x2D00]  }
0x16c: {  	v8 =	vld [tilespmem:s31+$0x2D10]  }
0x16d: {  	v6 =	vld [tilespmem:s31+$0x2D20]  }
0x16e: {  	v5 =	vld [tilespmem:s31+$0x2D30]  }
0x16f: {  	v4 =	vld [tilespmem:s31+$0x2D40]  }
0x170: {  	v3 =	vld [tilespmem:s31+$0x2D50]  }
0x171: {  	v15 =	vld [tilespmem:s31+$0x1900]  }
0x172: {  	v20 =	vld [tilespmem:s31+$0x1910]  }
0x173: {  	v14 =	vld [tilespmem:s31+$0x1920]  }
0x174: {  	v13 =	vld [tilespmem:s31+$0x1930]  }
0x175: {  	v12 =	vld [tilespmem:s31+$0x1940]  }
0x176: {  	v11 =	vld [tilespmem:s31+$0x1950]  }
0x177: {  	v10 =	vld [tilespmem:s31+$0x1960]  }
0x178: {  	v9 =	vld [tilespmem:s31+$0x1970]  }
0x179: {  	v21 =	vld [tilespmem:s31+$0x500]  }
0x17a: {  	v22 =	vld [tilespmem:s31+$0x510]  }
0x17b: {  	v19 =	vld [tilespmem:s31+$0x520]  }
0x17c: {  	v18 =	vld [tilespmem:s31+$0x530]  }
0x17d: {  	v17 =	vld [tilespmem:s31+$0x540]  }
0x17e: {  	v16 =	vld [tilespmem:s31+$0x550];
	v21 =	vadd.f32 v15, v21  }
0x17f: {  	s3 =	simm.s32 $0x200;
	v20 =	vadd.f32 v20, v22;
	v15 =	vld [tilespmem:s31+$0x560]  }
.LBB2_6:
0x180: {  	p1 =	sne.s32 s3, $0x4E00;
	v7 =	vadd.f32 v7, v21;
	v14 =	vadd.f32 v14, v19;
	v19 =	vld [tilespmem:s31+$0x570]  }
0x181: {  	v8 =	vadd.f32 v8, v20;
	v13 =	vadd.f32 v13, v18;
	v18 =	vld [tilespmem:s31+$0x2D60]  }
0x182: {  	s9 =	sshra.s32 s3, $0x2;
	v12 =	vadd.f32 v12, v17;
	v20 =	vmax.f32 v7, $0.0e+00;
	v6 =	vadd.f32 v6, v14;
	v14 =	vld [tilespmem:s31+$0x2D70]  }
0x183: {  	v11 =	vadd.f32 v11, v16;
	v17 =	vmax.f32 v8, $0.0e+00;
	v5 =	vadd.f32 v5, v13;
	v7 =	vld [tilespmem:s9+$0x2D00];
	[tilespmem:s31+$0x500] =	vst v20  }
0x184: {  	v10 =	vadd.f32 v10, v15;
	v4 =	vadd.f32 v4, v12;
	v8 =	vld [tilespmem:s9+$0x2D10];
	[tilespmem:s31+$0x510] =	vst v17;
	v13 =	vmax.f32 v6, $0.0e+00  }
0x185: {  	v3 =	vadd.f32 v3, v11;
	v12 =	vmax.f32 v5, $0.0e+00;
	v6 =	vld [tilespmem:s9+$0x2D20];
	[tilespmem:s31+$0x520] =	vst v13;
	v9 =	vadd.f32 v9, v19  }
0x186: {  	v11 =	vmax.f32 v4, $0.0e+00;
	v5 =	vld [tilespmem:s9+$0x2D30];
	[tilespmem:s31+$0x530] =	vst v12;
	v10 =	vadd.f32 v18, v10  }
0x187: {  	v4 =	vld [tilespmem:s9+$0x2D40];
	[tilespmem:s31+$0x540] =	vst v11;
	v11 =	vmax.f32 v3, $0.0e+00;
	v9 =	vadd.f32 v14, v9  }
0x188: {  	v3 =	vld [tilespmem:s9+$0x2D50];
	[tilespmem:s31+$0x550] =	vst v11;
	v10 =	vmax.f32 v10, $0.0e+00  }
0x189: {  	v15 =	vld [tilespmem:s9+$0x1900];
	[tilespmem:s31+$0x560] =	vst v10;
	v9 =	vmax.f32 v9, $0.0e+00  }
0x18a: {  	v20 =	vld [tilespmem:s9+$0x1910];
	[tilespmem:s31+$0x570] =	vst v9;
	s31 =	smov.u32 s9  }
0x18b: {  	v14 =	vld [tilespmem:s31+$0x1920]  }
0x18c: {  	v13 =	vld [tilespmem:s31+$0x1930]  }
0x18d: {  	v12 =	vld [tilespmem:s31+$0x1940]  }
0x18e: {  	v11 =	vld [tilespmem:s31+$0x1950]  }
0x18f: {  	v10 =	vld [tilespmem:s31+$0x1960]  }
0x190: {  	v9 =	vld [tilespmem:s31+$0x1970]  }
0x191: {  	v16 =	vld [tilespmem:s31+$0x500]  }
0x192: {  	v22 =	vld [tilespmem:s31+$0x510]  }
.Ltmp8:
0x193: {  	v19 =	vld [tilespmem:s31+$0x520];
	(pc) =	sbr.rel @p1 .LBB2_6-.Ltmp8, $4  }
0x194: {  	v18 =	vld [tilespmem:s31+$0x530]  }
0x195: {  	v17 =	vld [tilespmem:s31+$0x540]  }
0x196: {  	v21 =	vadd.f32 v15, v16;
	v16 =	vld [tilespmem:s31+$0x550]  }
0x197: {  	s3 =	sadd.s32 $0x200, s3;
	v20 =	vadd.f32 v20, v22;
	v15 =	vld [tilespmem:s31+$0x560]  }
.Ltmp9:
0x198: {  	_ = 	snop;
	(pc) =	sbr.rel .LBB2_7-.Ltmp9, $1  }
0x199: {  	_ =	sdelay $0x3  }
.LBB2_13:
0x19a: {  	_ =	sfence.sel $0x180000  }
0x19b: {  	[bflag:$0x0] =	sbarrier.arrive $0xFFFF  }
0x19c: {  	_ =	strace $0x90000047  }
0x19d: {  	s0 =	stileid.u32;
	[bflag:$0x2] =	sbarrier.arrive $0xFFFF  }
0x19e: {  	p0 =	sne.s32 s0, $0x0;
	s0 =	rddreg [dreg:$0x3]  }
0x19f: {  	s0 =	sadd.s32 @!p0 $0x100000, s0  }
0x1a0: {  	[sflag:s0] =	ssyncadd.tile.s32 @!p0 $0x1;
	_ =	shalt  }
.Lfunc_end2:
_tile_overlayer_lowered:
.L_overlay_start_2:
0x1a1: {  	(tag) =	ssettag $0x2  }
0x1a2: {  	s0 =	rddreg [dreg:$0x0];
	s2 =	stileid.u32  }
0x1a3: {  	s1 =	rddreg [dreg:$0x1];
	p0 =	sne.s32 s2, $0x0  }
0x1a4: {  	s3 =	rddreg [dreg:$0x2];
	[bflag:$0x3] =	sbarrier.arrive $0xFFFF;
	s2 =	simm.s32 @!p0 $0x1C07  }
0x1a5: {  	[timem:s3], [sflag:s2] =	dma.local @!p0 [hbm:s0], s1  }
0x1a6: {  	s0 =	simm.s32 @!p0 $0x7  }
0x1a7: {  	_ =	swait.ge @!p0 [sflag:s0], s1  }
0x1a8: {  	s1 =	ssub.s32 @!p0 $0x0, s1;
	[sflag:s0] =	ssyncset.done @!p0 $0x0  }
0x1a9: {  	[sflag:s0] =	ssyncadd.s32 @!p0 s1  }
0x1aa: {  	[bflag:$0x3] =	sbarrier.arrive $0xFFFF  }
0x1ab: {  	_ =	shalt  }

</sc_bundles>
